<compile_context>
chip_gen: v7x
topology: tpu7x:2x2x1
jax: 0.10.2.dev20260603
libtpu: 0.0.44.dev20260713+nightly
codegen_flags: <defaults>
</compile_context>

<pallas_src>
import functools

import jax
import jax.numpy as jnp
from jax import lax
from jax.experimental.layout import Format, Layout, with_layout_constraint
from jax.experimental import pallas as pl
from jax.experimental.pallas import tpu as pltpu
from jax.experimental.pallas import tpu_sc as plsc

V = 253854
EMB = 300
CTX = 10
B = 1024

TV = 2048
NV = (V + TV - 1) // TV

NC, NS = 2, 16
NW = NC * NS
NROWS = B * CTX
RPW = NROWS // NW
CHUNK = 80
NCH = RPW // CHUNK


GEMB = 384


def _sc_gather(table, tail_pad, idx_flat):
    mesh = plsc.VectorSubcoreMesh(core_axis_name="c", subcore_axis_name="s")

    @functools.partial(
        pl.kernel,
        mesh=mesh,
        out_type=jax.ShapeDtypeStruct((NROWS, GEMB), jnp.float32),
        scratch_types=[
            pltpu.VMEM((NCH, CHUNK), jnp.int32),
            pltpu.VMEM((RPW, GEMB), jnp.float32),
            pltpu.SemaphoreType.DMA,
        ],
    )
    def k(table_hbm, tail_hbm, idx_hbm, out_hbm, idx_v, rows_v, sem):
        wid = lax.axis_index("s") * NC + lax.axis_index("c")
        base = wid * RPW
        for c in range(NCH):
            pltpu.sync_copy(idx_hbm.at[pl.ds(base + c * CHUNK, CHUNK)],
                            idx_v.at[c])
        cps = []
        for c in range(NCH):
            rsel = pl.ds(c * CHUNK, CHUNK)
            for h in range(2):
                cps.append(pltpu.async_copy(
                    table_hbm.at[idx_v.at[c], pl.ds(h * 128, 128)],
                    rows_v.at[rsel, pl.ds(h * 128, 128)], sem))
            cps.append(pltpu.async_copy(
                tail_hbm.at[idx_v.at[c]],
                rows_v.at[rsel, pl.ds(256, 128)], sem))
        for cp in cps:
            cp.wait()
        pltpu.sync_copy(rows_v, out_hbm.at[pl.ds(base, RPW)])

    return k(table, tail_pad, idx_flat)


def _p0(g3):

    def body(g_ref, a_out):
        s = jnp.sum(g_ref[...], axis=0)[:, :EMB] * (1.0 / CTX)
        a_out[...] = s.astype(jnp.bfloat16)

    return pl.pallas_call(
        body,
        grid=(1,),
        in_specs=[pl.BlockSpec((CTX, B, GEMB), lambda j: (0, 0, 0))],
        out_specs=pl.BlockSpec((B, EMB), lambda j: (0, 0)),
        out_shape=jax.ShapeDtypeStruct((B, EMB), jnp.bfloat16),
    )(g3)


def _p1(a_bf, w, b2m):

    def body(a_ref, w_ref, b_ref, ones_ref, d_out, d_sc):
        j = pl.program_id(0)

        @pl.when(j == 0)
        def _():
            d_sc[...] = jnp.zeros((B, 128), jnp.float32)

        raw = lax.dot_general(
            a_ref[...], w_ref[...].astype(jnp.bfloat16),
            (((1,), (0,)), ((), ())),
            preferred_element_type=jnp.float32,
        )
        bb = b_ref[...]
        logits = jnp.where(bb > -1e29, raw + bb, -1e30)
        e = jnp.exp(logits).astype(jnp.bfloat16)
        d_sc[...] = d_sc[...] + lax.dot_general(
            e, ones_ref[...], (((1,), (0,)), ((), ())),
            preferred_element_type=jnp.float32,
        )

        @pl.when(j == NV - 1)
        def _():
            d_out[...] = d_sc[:, :1]

    return pl.pallas_call(
        body,
        grid=(NV,),
        in_specs=[
            pl.BlockSpec((B, EMB), lambda j: (0, 0)),
            pl.BlockSpec((EMB, TV), lambda j: (0, j)),
            pl.BlockSpec((1, TV), lambda j: (0, j)),
            pl.BlockSpec((TV, 128), lambda j: (0, 0)),
        ],
        out_specs=pl.BlockSpec((B, 1), lambda j: (0, 0)),
        out_shape=jax.ShapeDtypeStruct((B, 1), jnp.float32),
        scratch_shapes=[
            pltpu.VMEM((B, 128), jnp.float32),
        ],
        compiler_params=pltpu.CompilerParams(
            dimension_semantics=("arbitrary",)),
    )(a_bf, w, b2m, jnp.ones((TV, 128), jnp.bfloat16))


def _p2t(a_avg, w, bcol, r_row):

    def body(a_ref, w_ref, b_ref, r_ref, o_ref):
        lt = lax.dot_general(
            w_ref[...].astype(jnp.bfloat16), a_ref[...],
            (((0,), (1,)), ((), ())),
            preferred_element_type=jnp.float32,
        ) + b_ref[...]
        o_ref[...] = jnp.exp(lt) * r_ref[...]

    return pl.pallas_call(
        body,
        grid=(NV,),
        in_specs=[
            pl.BlockSpec((B, EMB), lambda j: (0, 0)),
            pl.BlockSpec((EMB, TV), lambda j: (0, j)),
            pl.BlockSpec((TV, 1), lambda j: (j, 0)),
            pl.BlockSpec((1, B), lambda j: (0, 0)),
        ],
        out_specs=pl.BlockSpec((TV, B), lambda j: (j, 0)),
        out_shape=jax.ShapeDtypeStruct((V, B), jnp.float32),
        compiler_params=pltpu.CompilerParams(
            dimension_semantics=("arbitrary",)),
    )(a_avg, w, bcol, r_row)


def kernel(inputs, embedding_table, dense_W, dense_b):
    idx_flat = inputs.astype(jnp.int32).T.reshape(-1)
    table_rm = jax.lax.optimization_barrier(
        with_layout_constraint(embedding_table, Layout((0, 1))))
    tail_pad = jnp.pad(table_rm[:, 256:], ((0, 0), (0, 128 - (EMB - 256))))
    g = _sc_gather(table_rm, tail_pad, idx_flat)
    g3 = g.reshape(CTX, B, GEMB)
    b2m = jnp.pad(dense_b.reshape(1, V), ((0, 0), (0, NV * TV - V)),
                  constant_values=-1e30)
    a_bf = _p0(g3)
    d = _p1(a_bf, dense_W, b2m)
    out_t = _p2t(a_bf, dense_W, dense_b.reshape(V, 1),
                 (1.0 / d).reshape(1, B))
    return out_t.T

# --- scband reference (transcript-rebuilt; emitter-appended) ---
"""Pipeline reference for scband-word-model-78013785964901 (READ-ONLY COPY).

The authoritative reference and input builder live on the scoring server;
editing this copy changes nothing except your own understanding.
"""

import jax, jax.numpy as jnp
import numpy as np

VOCAB = 253854
EMBED = 300
WINDOW = 5
BATCH = 1024
CTX = 2 * WINDOW

def setup_inputs(seed: int = 0) -> dict:
    key = jax.random.key(seed)
    k1, k2, k3, k4 = jax.random.split(key, 4)
    inputs = jax.random.randint(k1, (BATCH, CTX), 0, VOCAB, dtype=jnp.int64 if jax.config.jax_enable_x64 else jnp.int32)
    embedding_table = jax.random.normal(k2, (VOCAB, EMBED), dtype=jnp.float32) * 0.05
    dense_W = jax.random.normal(k3, (EMBED, VOCAB), dtype=jnp.float32) * 0.05
    dense_b = jnp.zeros((VOCAB,), dtype=jnp.float32)
    return {"inputs": inputs, "embedding_table": embedding_table, "dense_W": dense_W, "dense_b": dense_b}

def reference(inputs, embedding_table, dense_W, dense_b):
    # Embedding lookup: (B, CTX) -> (B, CTX, EMBED)
    context_embedding = jnp.take(embedding_table, inputs, axis=0)
    # GlobalAveragePooling1D over the context axis
    averaged_embedding = jnp.mean(context_embedding, axis=1)
    # Dense with softmax activation
    logits = averaged_embedding @ dense_W + dense_b
    output = jax.nn.softmax(logits, axis=-1)
    return output

if __name__ == "__main__":
    import jax
    _d = setup_inputs()
    print(jax.jit(kernel)(*tuple(_d.values())))

</pallas_src>

<mosaic_0001>
#map = affine_map<(d0, d1) -> (0, 0)>
#map1 = affine_map<(d0, d1) -> (0)>
module attributes {stable_mosaic.version = 14 : i64} {
  func.func @k(%arg0: i32, %arg1: i32, %arg2: memref<253854x300xf32, #tpu.memory_space<hbm>>, %arg3: memref<253854x128xf32, #tpu.memory_space<hbm>>, %arg4: memref<10240xi32, #tpu.memory_space<hbm>>, %arg5: memref<10240x384xf32, #tpu.memory_space<hbm>>, %arg6: memref<4x80xi32, #tpu.memory_space<vmem>>, %arg7: memref<320x384xf32, #tpu.memory_space<vmem>>, %arg8: memref<!tpu.dma_semaphore, #tpu.memory_space<semaphore_mem>>) attributes {dimension_semantics = [#tpu.dimension_semantics<core_parallel>, #tpu.dimension_semantics<subcore_parallel>], iteration_bounds = array<i64: 2, 16>, scalar_prefetch = 0 : i64, scratch_operands = 3 : i64, tpu.core_type = #tpu.core_type<sc_vector_subcore>, window_params = [{transform_indices = #map}, {transform_indices = #map}, {transform_indices = #map1}, {transform_indices = #map}]} {
    %mul3A = arith.constant 2 : i32
    %mul3A_0 = arith.muli %arg1, %mul3A : i32
    %add3A = arith.addi %mul3A_0, %arg0 : i32
    %mul3A_1 = arith.constant 320 : i32
    %mul3A_2 = arith.muli %add3A, %mul3A_1 : i32
    %add3A_3 = arith.constant 0 : i32
    %add3A_4 = arith.addi %mul3A_2, %add3A_3 : i32
    %run_scoped3A = arith.constant 0 : i32
    "tpu.region"() ({
      %run_scoped3A_252 = tpu.sem_alloc : memref<!tpu.dma_semaphore, #tpu.memory_space<semaphore_mem>>
      %dma_start3A_253 = arith.constant 0 : i32
      %dma_start3A_254 = tpu.memref_slice %arg6[%run_scoped3A, %dma_start3A_253] : memref<4x80xi32, #tpu.memory_space<vmem>> -> memref<1x80xi32, #tpu.memory_space<vmem>>
      %dma_start3A_255 = tpu.memref_squeeze %dma_start3A_254 : memref<1x80xi32, #tpu.memory_space<vmem>> -> memref<80xi32, #tpu.memory_space<vmem>>
      %dma_start3A_256 = tpu.memref_slice %arg4[%add3A_4] : memref<10240xi32, #tpu.memory_space<hbm>> -> memref<80xi32, #tpu.memory_space<hbm>>
      %dma_start3A_257 = arith.constant 0 : i32
      %dma_start3A_258 = tpu.memref_slice %arg6[%run_scoped3A, %dma_start3A_257] : memref<4x80xi32, #tpu.memory_space<vmem>> -> memref<1x80xi32, #tpu.memory_space<vmem>>
      %dma_start3A_259 = tpu.memref_squeeze %dma_start3A_258 : memref<1x80xi32, #tpu.memory_space<vmem>> -> memref<80xi32, #tpu.memory_space<vmem>>
      %dma_start3A_260 = tpu.memref_slice %arg4[%add3A_4] : memref<10240xi32, #tpu.memory_space<hbm>> -> memref<80xi32, #tpu.memory_space<hbm>>
      tpu.enqueue_dma source(%dma_start3A_260 : memref<80xi32, #tpu.memory_space<hbm>>) target(%dma_start3A_259 : memref<80xi32, #tpu.memory_space<vmem>>) target_semaphore(%run_scoped3A_252 : memref<!tpu.dma_semaphore, #tpu.memory_space<semaphore_mem>>)
      %dma_wait3A_261 = arith.constant 0 : i32
      %dma_wait3A_262 = tpu.memref_slice %arg6[%run_scoped3A, %dma_wait3A_261] : memref<4x80xi32, #tpu.memory_space<vmem>> -> memref<1x80xi32, #tpu.memory_space<vmem>>
      %dma_wait3A_263 = tpu.memref_squeeze %dma_wait3A_262 : memref<1x80xi32, #tpu.memory_space<vmem>> -> memref<80xi32, #tpu.memory_space<vmem>>
      %dma_wait3A_264 = tpu.memref_slice %arg4[%add3A_4] : memref<10240xi32, #tpu.memory_space<hbm>> -> memref<80xi32, #tpu.memory_space<hbm>>
      %dma_wait3A_265 = arith.constant 0 : i32
      %dma_wait3A_266 = tpu.memref_slice %arg6[%run_scoped3A, %dma_wait3A_265] : memref<4x80xi32, #tpu.memory_space<vmem>> -> memref<1x80xi32, #tpu.memory_space<vmem>>
      %dma_wait3A_267 = tpu.memref_squeeze %dma_wait3A_266 : memref<1x80xi32, #tpu.memory_space<vmem>> -> memref<80xi32, #tpu.memory_space<vmem>>
      %dma_wait3A_268 = tpu.memref_slice %arg4[%add3A_4] : memref<10240xi32, #tpu.memory_space<hbm>> -> memref<80xi32, #tpu.memory_space<hbm>>
      tpu.wait_dma2 semaphore(%run_scoped3A_252 : memref<!tpu.dma_semaphore, #tpu.memory_space<semaphore_mem>>) src(%dma_wait3A_268 : memref<80xi32, #tpu.memory_space<hbm>>) dst(%dma_wait3A_267 : memref<80xi32, #tpu.memory_space<vmem>>)
      tpu.yield
    }) : () -> ()
    %add3A_5 = arith.constant 80 : i32
    %add3A_6 = arith.addi %mul3A_2, %add3A_5 : i32
    %run_scoped3A_7 = arith.constant 1 : i32
    "tpu.region"() ({
      %run_scoped3A_252 = tpu.sem_alloc : memref<!tpu.dma_semaphore, #tpu.memory_space<semaphore_mem>>
      %dma_start3A_253 = arith.constant 0 : i32
      %dma_start3A_254 = tpu.memref_slice %arg6[%run_scoped3A_7, %dma_start3A_253] : memref<4x80xi32, #tpu.memory_space<vmem>> -> memref<1x80xi32, #tpu.memory_space<vmem>>
      %dma_start3A_255 = tpu.memref_squeeze %dma_start3A_254 : memref<1x80xi32, #tpu.memory_space<vmem>> -> memref<80xi32, #tpu.memory_space<vmem>>
      %dma_start3A_256 = tpu.memref_slice %arg4[%add3A_6] : memref<10240xi32, #tpu.memory_space<hbm>> -> memref<80xi32, #tpu.memory_space<hbm>>
      %dma_start3A_257 = arith.constant 0 : i32
      %dma_start3A_258 = tpu.memref_slice %arg6[%run_scoped3A_7, %dma_start3A_257] : memref<4x80xi32, #tpu.memory_space<vmem>> -> memref<1x80xi32, #tpu.memory_space<vmem>>
      %dma_start3A_259 = tpu.memref_squeeze %dma_start3A_258 : memref<1x80xi32, #tpu.memory_space<vmem>> -> memref<80xi32, #tpu.memory_space<vmem>>
      %dma_start3A_260 = tpu.memref_slice %arg4[%add3A_6] : memref<10240xi32, #tpu.memory_space<hbm>> -> memref<80xi32, #tpu.memory_space<hbm>>
      tpu.enqueue_dma source(%dma_start3A_260 : memref<80xi32, #tpu.memory_space<hbm>>) target(%dma_start3A_259 : memref<80xi32, #tpu.memory_space<vmem>>) target_semaphore(%run_scoped3A_252 : memref<!tpu.dma_semaphore, #tpu.memory_space<semaphore_mem>>)
      %dma_wait3A_261 = arith.constant 0 : i32
      %dma_wait3A_262 = tpu.memref_slice %arg6[%run_scoped3A_7, %dma_wait3A_261] : memref<4x80xi32, #tpu.memory_space<vmem>> -> memref<1x80xi32, #tpu.memory_space<vmem>>
      %dma_wait3A_263 = tpu.memref_squeeze %dma_wait3A_262 : memref<1x80xi32, #tpu.memory_space<vmem>> -> memref<80xi32, #tpu.memory_space<vmem>>
      %dma_wait3A_264 = tpu.memref_slice %arg4[%add3A_6] : memref<10240xi32, #tpu.memory_space<hbm>> -> memref<80xi32, #tpu.memory_space<hbm>>
      %dma_wait3A_265 = arith.constant 0 : i32
      %dma_wait3A_266 = tpu.memref_slice %arg6[%run_scoped3A_7, %dma_wait3A_265] : memref<4x80xi32, #tpu.memory_space<vmem>> -> memref<1x80xi32, #tpu.memory_space<vmem>>
      %dma_wait3A_267 = tpu.memref_squeeze %dma_wait3A_266 : memref<1x80xi32, #tpu.memory_space<vmem>> -> memref<80xi32, #tpu.memory_space<vmem>>
      %dma_wait3A_268 = tpu.memref_slice %arg4[%add3A_6] : memref<10240xi32, #tpu.memory_space<hbm>> -> memref<80xi32, #tpu.memory_space<hbm>>
      tpu.wait_dma2 semaphore(%run_scoped3A_252 : memref<!tpu.dma_semaphore, #tpu.memory_space<semaphore_mem>>) src(%dma_wait3A_268 : memref<80xi32, #tpu.memory_space<hbm>>) dst(%dma_wait3A_267 : memref<80xi32, #tpu.memory_space<vmem>>)
      tpu.yield
    }) : () -> ()
    %add3A_8 = arith.constant 160 : i32
    %add3A_9 = arith.addi %mul3A_2, %add3A_8 : i32
    %run_scoped3A_10 = arith.constant 2 : i32
    "tpu.region"() ({
      %run_scoped3A_252 = tpu.sem_alloc : memref<!tpu.dma_semaphore, #tpu.memory_space<semaphore_mem>>
      %dma_start3A_253 = arith.constant 0 : i32
      %dma_start3A_254 = tpu.memref_slice %arg6[%run_scoped3A_10, %dma_start3A_253] : memref<4x80xi32, #tpu.memory_space<vmem>> -> memref<1x80xi32, #tpu.memory_space<vmem>>
      %dma_start3A_255 = tpu.memref_squeeze %dma_start3A_254 : memref<1x80xi32, #tpu.memory_space<vmem>> -> memref<80xi32, #tpu.memory_space<vmem>>
      %dma_start3A_256 = tpu.memref_slice %arg4[%add3A_9] : memref<10240xi32, #tpu.memory_space<hbm>> -> memref<80xi32, #tpu.memory_space<hbm>>
      %dma_start3A_257 = arith.constant 0 : i32
      %dma_start3A_258 = tpu.memref_slice %arg6[%run_scoped3A_10, %dma_start3A_257] : memref<4x80xi32, #tpu.memory_space<vmem>> -> memref<1x80xi32, #tpu.memory_space<vmem>>
      %dma_start3A_259 = tpu.memref_squeeze %dma_start3A_258 : memref<1x80xi32, #tpu.memory_space<vmem>> -> memref<80xi32, #tpu.memory_space<vmem>>
      %dma_start3A_260 = tpu.memref_slice %arg4[%add3A_9] : memref<10240xi32, #tpu.memory_space<hbm>> -> memref<80xi32, #tpu.memory_space<hbm>>
      tpu.enqueue_dma source(%dma_start3A_260 : memref<80xi32, #tpu.memory_space<hbm>>) target(%dma_start3A_259 : memref<80xi32, #tpu.memory_space<vmem>>) target_semaphore(%run_scoped3A_252 : memref<!tpu.dma_semaphore, #tpu.memory_space<semaphore_mem>>)
      %dma_wait3A_261 = arith.constant 0 : i32
      %dma_wait3A_262 = tpu.memref_slice %arg6[%run_scoped3A_10, %dma_wait3A_261] : memref<4x80xi32, #tpu.memory_space<vmem>> -> memref<1x80xi32, #tpu.memory_space<vmem>>
      %dma_wait3A_263 = tpu.memref_squeeze %dma_wait3A_262 : memref<1x80xi32, #tpu.memory_space<vmem>> -> memref<80xi32, #tpu.memory_space<vmem>>
      %dma_wait3A_264 = tpu.memref_slice %arg4[%add3A_9] : memref<10240xi32, #tpu.memory_space<hbm>> -> memref<80xi32, #tpu.memory_space<hbm>>
      %dma_wait3A_265 = arith.constant 0 : i32
      %dma_wait3A_266 = tpu.memref_slice %arg6[%run_scoped3A_10, %dma_wait3A_265] : memref<4x80xi32, #tpu.memory_space<vmem>> -> memref<1x80xi32, #tpu.memory_space<vmem>>
      %dma_wait3A_267 = tpu.memref_squeeze %dma_wait3A_266 : memref<1x80xi32, #tpu.memory_space<vmem>> -> memref<80xi32, #tpu.memory_space<vmem>>
      %dma_wait3A_268 = tpu.memref_slice %arg4[%add3A_9] : memref<10240xi32, #tpu.memory_space<hbm>> -> memref<80xi32, #tpu.memory_space<hbm>>
      tpu.wait_dma2 semaphore(%run_scoped3A_252 : memref<!tpu.dma_semaphore, #tpu.memory_space<semaphore_mem>>) src(%dma_wait3A_268 : memref<80xi32, #tpu.memory_space<hbm>>) dst(%dma_wait3A_267 : memref<80xi32, #tpu.memory_space<vmem>>)
      tpu.yield
    }) : () -> ()
    %add3A_11 = arith.constant 240 : i32
    %add3A_12 = arith.addi %mul3A_2, %add3A_11 : i32
    %run_scoped3A_13 = arith.constant 3 : i32
    "tpu.region"() ({
      %run_scoped3A_252 = tpu.sem_alloc : memref<!tpu.dma_semaphore, #tpu.memory_space<semaphore_mem>>
      %dma_start3A_253 = arith.constant 0 : i32
      %dma_start3A_254 = tpu.memref_slice %arg6[%run_scoped3A_13, %dma_start3A_253] : memref<4x80xi32, #tpu.memory_space<vmem>> -> memref<1x80xi32, #tpu.memory_space<vmem>>
      %dma_start3A_255 = tpu.memref_squeeze %dma_start3A_254 : memref<1x80xi32, #tpu.memory_space<vmem>> -> memref<80xi32, #tpu.memory_space<vmem>>
      %dma_start3A_256 = tpu.memref_slice %arg4[%add3A_12] : memref<10240xi32, #tpu.memory_space<hbm>> -> memref<80xi32, #tpu.memory_space<hbm>>
      %dma_start3A_257 = arith.constant 0 : i32
      %dma_start3A_258 = tpu.memref_slice %arg6[%run_scoped3A_13, %dma_start3A_257] : memref<4x80xi32, #tpu.memory_space<vmem>> -> memref<1x80xi32, #tpu.memory_space<vmem>>
      %dma_start3A_259 = tpu.memref_squeeze %dma_start3A_258 : memref<1x80xi32, #tpu.memory_space<vmem>> -> memref<80xi32, #tpu.memory_space<vmem>>
      %dma_start3A_260 = tpu.memref_slice %arg4[%add3A_12] : memref<10240xi32, #tpu.memory_space<hbm>> -> memref<80xi32, #tpu.memory_space<hbm>>
      tpu.enqueue_dma source(%dma_start3A_260 : memref<80xi32, #tpu.memory_space<hbm>>) target(%dma_start3A_259 : memref<80xi32, #tpu.memory_space<vmem>>) target_semaphore(%run_scoped3A_252 : memref<!tpu.dma_semaphore, #tpu.memory_space<semaphore_mem>>)
      %dma_wait3A_261 = arith.constant 0 : i32
      %dma_wait3A_262 = tpu.memref_slice %arg6[%run_scoped3A_13, %dma_wait3A_261] : memref<4x80xi32, #tpu.memory_space<vmem>> -> memref<1x80xi32, #tpu.memory_space<vmem>>
      %dma_wait3A_263 = tpu.memref_squeeze %dma_wait3A_262 : memref<1x80xi32, #tpu.memory_space<vmem>> -> memref<80xi32, #tpu.memory_space<vmem>>
      %dma_wait3A_264 = tpu.memref_slice %arg4[%add3A_12] : memref<10240xi32, #tpu.memory_space<hbm>> -> memref<80xi32, #tpu.memory_space<hbm>>
      %dma_wait3A_265 = arith.constant 0 : i32
      %dma_wait3A_266 = tpu.memref_slice %arg6[%run_scoped3A_13, %dma_wait3A_265] : memref<4x80xi32, #tpu.memory_space<vmem>> -> memref<1x80xi32, #tpu.memory_space<vmem>>
      %dma_wait3A_267 = tpu.memref_squeeze %dma_wait3A_266 : memref<1x80xi32, #tpu.memory_space<vmem>> -> memref<80xi32, #tpu.memory_space<vmem>>
      %dma_wait3A_268 = tpu.memref_slice %arg4[%add3A_12] : memref<10240xi32, #tpu.memory_space<hbm>> -> memref<80xi32, #tpu.memory_space<hbm>>
      tpu.wait_dma2 semaphore(%run_scoped3A_252 : memref<!tpu.dma_semaphore, #tpu.memory_space<semaphore_mem>>) src(%dma_wait3A_268 : memref<80xi32, #tpu.memory_space<hbm>>) dst(%dma_wait3A_267 : memref<80xi32, #tpu.memory_space<vmem>>)
      tpu.yield
    }) : () -> ()
    %dma_start3A = arith.constant 0 : i32
    %dma_start3A_14 = arith.constant 0 : i32
    %dma_start3A_15 = arith.constant 0 : i32
    %dma_start3A_16 = tpu.memref_slice %arg7[%dma_start3A_14, %dma_start3A_15] : memref<320x384xf32, #tpu.memory_space<vmem>> -> memref<80x128xf32, #tpu.memory_space<vmem>>
    %dma_start3A_17 = arith.constant 0 : i32
    %dma_start3A_18 = tpu.memref_slice %arg6[%dma_start3A, %dma_start3A_17] : memref<4x80xi32, #tpu.memory_space<vmem>> -> memref<1x80xi32, #tpu.memory_space<vmem>>
    %dma_start3A_19 = tpu.memref_squeeze %dma_start3A_18 : memref<1x80xi32, #tpu.memory_space<vmem>> -> memref<80xi32, #tpu.memory_space<vmem>>
    %dma_start3A_20 = arith.constant 0 : i32
    %dma_start3A_21 = arith.constant 0 : i32
    %dma_start3A_22 = tpu.memref_slice %arg2[%dma_start3A_20, %dma_start3A_21] : memref<253854x300xf32, #tpu.memory_space<hbm>> -> memref<253854x128xf32, #tpu.memory_space<hbm>>
    tpu.enqueue_indirect_dma source(%dma_start3A_22 : memref<253854x128xf32, #tpu.memory_space<hbm>>) target(%dma_start3A_16 : memref<80x128xf32, #tpu.memory_space<vmem>>) offsets(%dma_start3A_19 : memref<80xi32, #tpu.memory_space<vmem>>) semaphore(%arg8 : memref<!tpu.dma_semaphore, #tpu.memory_space<semaphore_mem>>)
    %dma_start3A_23 = arith.constant 0 : i32
    %dma_start3A_24 = arith.constant 0 : i32
    %dma_start3A_25 = arith.constant 128 : i32
    %dma_start3A_26 = tpu.memref_slice %arg7[%dma_start3A_24, %dma_start3A_25] : memref<320x384xf32, #tpu.memory_space<vmem>> -> memref<80x128xf32, #tpu.memory_space<vmem>>
    %dma_start3A_27 = arith.constant 0 : i32
    %dma_start3A_28 = tpu.memref_slice %arg6[%dma_start3A_23, %dma_start3A_27] : memref<4x80xi32, #tpu.memory_space<vmem>> -> memref<1x80xi32, #tpu.memory_space<vmem>>
    %dma_start3A_29 = tpu.memref_squeeze %dma_start3A_28 : memref<1x80xi32, #tpu.memory_space<vmem>> -> memref<80xi32, #tpu.memory_space<vmem>>
    %dma_start3A_30 = arith.constant 0 : i32
    %dma_start3A_31 = arith.constant 128 : i32
    %dma_start3A_32 = tpu.memref_slice %arg2[%dma_start3A_30, %dma_start3A_31] : memref<253854x300xf32, #tpu.memory_space<hbm>> -> memref<253854x128xf32, #tpu.memory_space<hbm>>
    tpu.enqueue_indirect_dma source(%dma_start3A_32 : memref<253854x128xf32, #tpu.memory_space<hbm>>) target(%dma_start3A_26 : memref<80x128xf32, #tpu.memory_space<vmem>>) offsets(%dma_start3A_29 : memref<80xi32, #tpu.memory_space<vmem>>) semaphore(%arg8 : memref<!tpu.dma_semaphore, #tpu.memory_space<semaphore_mem>>)
    %dma_start3A_33 = arith.constant 0 : i32
    %dma_start3A_34 = arith.constant 0 : i32
    %dma_start3A_35 = arith.constant 256 : i32
    %dma_start3A_36 = tpu.memref_slice %arg7[%dma_start3A_34, %dma_start3A_35] : memref<320x384xf32, #tpu.memory_space<vmem>> -> memref<80x128xf32, #tpu.memory_space<vmem>>
    %dma_start3A_37 = arith.constant 0 : i32
    %dma_start3A_38 = tpu.memref_slice %arg6[%dma_start3A_33, %dma_start3A_37] : memref<4x80xi32, #tpu.memory_space<vmem>> -> memref<1x80xi32, #tpu.memory_space<vmem>>
    %dma_start3A_39 = tpu.memref_squeeze %dma_start3A_38 : memref<1x80xi32, #tpu.memory_space<vmem>> -> memref<80xi32, #tpu.memory_space<vmem>>
    %dma_start3A_40 = arith.constant 0 : i32
    %dma_start3A_41 = arith.constant 0 : i32
    %dma_start3A_42 = tpu.memref_slice %arg3[%dma_start3A_40, %dma_start3A_41] : memref<253854x128xf32, #tpu.memory_space<hbm>> -> memref<253854x128xf32, #tpu.memory_space<hbm>>
    tpu.enqueue_indirect_dma source(%dma_start3A_42 : memref<253854x128xf32, #tpu.memory_space<hbm>>) target(%dma_start3A_36 : memref<80x128xf32, #tpu.memory_space<vmem>>) offsets(%dma_start3A_39 : memref<80xi32, #tpu.memory_space<vmem>>) semaphore(%arg8 : memref<!tpu.dma_semaphore, #tpu.memory_space<semaphore_mem>>)
    %dma_start3A_43 = arith.constant 1 : i32
    %dma_start3A_44 = arith.constant 80 : i32
    %dma_start3A_45 = arith.constant 0 : i32
    %dma_start3A_46 = tpu.memref_slice %arg7[%dma_start3A_44, %dma_start3A_45] : memref<320x384xf32, #tpu.memory_space<vmem>> -> memref<80x128xf32, #tpu.memory_space<vmem>>
    %dma_start3A_47 = arith.constant 0 : i32
    %dma_start3A_48 = tpu.memref_slice %arg6[%dma_start3A_43, %dma_start3A_47] : memref<4x80xi32, #tpu.memory_space<vmem>> -> memref<1x80xi32, #tpu.memory_space<vmem>>
    %dma_start3A_49 = tpu.memref_squeeze %dma_start3A_48 : memref<1x80xi32, #tpu.memory_space<vmem>> -> memref<80xi32, #tpu.memory_space<vmem>>
    %dma_start3A_50 = arith.constant 0 : i32
    %dma_start3A_51 = arith.constant 0 : i32
    %dma_start3A_52 = tpu.memref_slice %arg2[%dma_start3A_50, %dma_start3A_51] : memref<253854x300xf32, #tpu.memory_space<hbm>> -> memref<253854x128xf32, #tpu.memory_space<hbm>>
    tpu.enqueue_indirect_dma source(%dma_start3A_52 : memref<253854x128xf32, #tpu.memory_space<hbm>>) target(%dma_start3A_46 : memref<80x128xf32, #tpu.memory_space<vmem>>) offsets(%dma_start3A_49 : memref<80xi32, #tpu.memory_space<vmem>>) semaphore(%arg8 : memref<!tpu.dma_semaphore, #tpu.memory_space<semaphore_mem>>)
    %dma_start3A_53 = arith.constant 1 : i32
    %dma_start3A_54 = arith.constant 80 : i32
    %dma_start3A_55 = arith.constant 128 : i32
    %dma_start3A_56 = tpu.memref_slice %arg7[%dma_start3A_54, %dma_start3A_55] : memref<320x384xf32, #tpu.memory_space<vmem>> -> memref<80x128xf32, #tpu.memory_space<vmem>>
    %dma_start3A_57 = arith.constant 0 : i32
    %dma_start3A_58 = tpu.memref_slice %arg6[%dma_start3A_53, %dma_start3A_57] : memref<4x80xi32, #tpu.memory_space<vmem>> -> memref<1x80xi32, #tpu.memory_space<vmem>>
    %dma_start3A_59 = tpu.memref_squeeze %dma_start3A_58 : memref<1x80xi32, #tpu.memory_space<vmem>> -> memref<80xi32, #tpu.memory_space<vmem>>
    %dma_start3A_60 = arith.constant 0 : i32
    %dma_start3A_61 = arith.constant 128 : i32
    %dma_start3A_62 = tpu.memref_slice %arg2[%dma_start3A_60, %dma_start3A_61] : memref<253854x300xf32, #tpu.memory_space<hbm>> -> memref<253854x128xf32, #tpu.memory_space<hbm>>
    tpu.enqueue_indirect_dma source(%dma_start3A_62 : memref<253854x128xf32, #tpu.memory_space<hbm>>) target(%dma_start3A_56 : memref<80x128xf32, #tpu.memory_space<vmem>>) offsets(%dma_start3A_59 : memref<80xi32, #tpu.memory_space<vmem>>) semaphore(%arg8 : memref<!tpu.dma_semaphore, #tpu.memory_space<semaphore_mem>>)
    %dma_start3A_63 = arith.constant 1 : i32
    %dma_start3A_64 = arith.constant 80 : i32
    %dma_start3A_65 = arith.constant 256 : i32
    %dma_start3A_66 = tpu.memref_slice %arg7[%dma_start3A_64, %dma_start3A_65] : memref<320x384xf32, #tpu.memory_space<vmem>> -> memref<80x128xf32, #tpu.memory_space<vmem>>
    %dma_start3A_67 = arith.constant 0 : i32
    %dma_start3A_68 = tpu.memref_slice %arg6[%dma_start3A_63, %dma_start3A_67] : memref<4x80xi32, #tpu.memory_space<vmem>> -> memref<1x80xi32, #tpu.memory_space<vmem>>
    %dma_start3A_69 = tpu.memref_squeeze %dma_start3A_68 : memref<1x80xi32, #tpu.memory_space<vmem>> -> memref<80xi32, #tpu.memory_space<vmem>>
    %dma_start3A_70 = arith.constant 0 : i32
    %dma_start3A_71 = arith.constant 0 : i32
    %dma_start3A_72 = tpu.memref_slice %arg3[%dma_start3A_70, %dma_start3A_71] : memref<253854x128xf32, #tpu.memory_space<hbm>> -> memref<253854x128xf32, #tpu.memory_space<hbm>>
    tpu.enqueue_indirect_dma source(%dma_start3A_72 : memref<253854x128xf32, #tpu.memory_space<hbm>>) target(%dma_start3A_66 : memref<80x128xf32, #tpu.memory_space<vmem>>) offsets(%dma_start3A_69 : memref<80xi32, #tpu.memory_space<vmem>>) semaphore(%arg8 : memref<!tpu.dma_semaphore, #tpu.memory_space<semaphore_mem>>)
    %dma_start3A_73 = arith.constant 2 : i32
    %dma_start3A_74 = arith.constant 160 : i32
    %dma_start3A_75 = arith.constant 0 : i32
    %dma_start3A_76 = tpu.memref_slice %arg7[%dma_start3A_74, %dma_start3A_75] : memref<320x384xf32, #tpu.memory_space<vmem>> -> memref<80x128xf32, #tpu.memory_space<vmem>>
    %dma_start3A_77 = arith.constant 0 : i32
    %dma_start3A_78 = tpu.memref_slice %arg6[%dma_start3A_73, %dma_start3A_77] : memref<4x80xi32, #tpu.memory_space<vmem>> -> memref<1x80xi32, #tpu.memory_space<vmem>>
    %dma_start3A_79 = tpu.memref_squeeze %dma_start3A_78 : memref<1x80xi32, #tpu.memory_space<vmem>> -> memref<80xi32, #tpu.memory_space<vmem>>
    %dma_start3A_80 = arith.constant 0 : i32
    %dma_start3A_81 = arith.constant 0 : i32
    %dma_start3A_82 = tpu.memref_slice %arg2[%dma_start3A_80, %dma_start3A_81] : memref<253854x300xf32, #tpu.memory_space<hbm>> -> memref<253854x128xf32, #tpu.memory_space<hbm>>
    tpu.enqueue_indirect_dma source(%dma_start3A_82 : memref<253854x128xf32, #tpu.memory_space<hbm>>) target(%dma_start3A_76 : memref<80x128xf32, #tpu.memory_space<vmem>>) offsets(%dma_start3A_79 : memref<80xi32, #tpu.memory_space<vmem>>) semaphore(%arg8 : memref<!tpu.dma_semaphore, #tpu.memory_space<semaphore_mem>>)
    %dma_start3A_83 = arith.constant 2 : i32
    %dma_start3A_84 = arith.constant 160 : i32
    %dma_start3A_85 = arith.constant 128 : i32
    %dma_start3A_86 = tpu.memref_slice %arg7[%dma_start3A_84, %dma_start3A_85] : memref<320x384xf32, #tpu.memory_space<vmem>> -> memref<80x128xf32, #tpu.memory_space<vmem>>
    %dma_start3A_87 = arith.constant 0 : i32
    %dma_start3A_88 = tpu.memref_slice %arg6[%dma_start3A_83, %dma_start3A_87] : memref<4x80xi32, #tpu.memory_space<vmem>> -> memref<1x80xi32, #tpu.memory_space<vmem>>
    %dma_start3A_89 = tpu.memref_squeeze %dma_start3A_88 : memref<1x80xi32, #tpu.memory_space<vmem>> -> memref<80xi32, #tpu.memory_space<vmem>>
    %dma_start3A_90 = arith.constant 0 : i32
    %dma_start3A_91 = arith.constant 128 : i32
    %dma_start3A_92 = tpu.memref_slice %arg2[%dma_start3A_90, %dma_start3A_91] : memref<253854x300xf32, #tpu.memory_space<hbm>> -> memref<253854x128xf32, #tpu.memory_space<hbm>>
    tpu.enqueue_indirect_dma source(%dma_start3A_92 : memref<253854x128xf32, #tpu.memory_space<hbm>>) target(%dma_start3A_86 : memref<80x128xf32, #tpu.memory_space<vmem>>) offsets(%dma_start3A_89 : memref<80xi32, #tpu.memory_space<vmem>>) semaphore(%arg8 : memref<!tpu.dma_semaphore, #tpu.memory_space<semaphore_mem>>)
    %dma_start3A_93 = arith.constant 2 : i32
    %dma_start3A_94 = arith.constant 160 : i32
    %dma_start3A_95 = arith.constant 256 : i32
    %dma_start3A_96 = tpu.memref_slice %arg7[%dma_start3A_94, %dma_start3A_95] : memref<320x384xf32, #tpu.memory_space<vmem>> -> memref<80x128xf32, #tpu.memory_space<vmem>>
    %dma_start3A_97 = arith.constant 0 : i32
    %dma_start3A_98 = tpu.memref_slice %arg6[%dma_start3A_93, %dma_start3A_97] : memref<4x80xi32, #tpu.memory_space<vmem>> -> memref<1x80xi32, #tpu.memory_space<vmem>>
    %dma_start3A_99 = tpu.memref_squeeze %dma_start3A_98 : memref<1x80xi32, #tpu.memory_space<vmem>> -> memref<80xi32, #tpu.memory_space<vmem>>
    %dma_start3A_100 = arith.constant 0 : i32
    %dma_start3A_101 = arith.constant 0 : i32
    %dma_start3A_102 = tpu.memref_slice %arg3[%dma_start3A_100, %dma_start3A_101] : memref<253854x128xf32, #tpu.memory_space<hbm>> -> memref<253854x128xf32, #tpu.memory_space<hbm>>
    tpu.enqueue_indirect_dma source(%dma_start3A_102 : memref<253854x128xf32, #tpu.memory_space<hbm>>) target(%dma_start3A_96 : memref<80x128xf32, #tpu.memory_space<vmem>>) offsets(%dma_start3A_99 : memref<80xi32, #tpu.memory_space<vmem>>) semaphore(%arg8 : memref<!tpu.dma_semaphore, #tpu.memory_space<semaphore_mem>>)
    %dma_start3A_103 = arith.constant 3 : i32
    %dma_start3A_104 = arith.constant 240 : i32
    %dma_start3A_105 = arith.constant 0 : i32
    %dma_start3A_106 = tpu.memref_slice %arg7[%dma_start3A_104, %dma_start3A_105] : memref<320x384xf32, #tpu.memory_space<vmem>> -> memref<80x128xf32, #tpu.memory_space<vmem>>
    %dma_start3A_107 = arith.constant 0 : i32
    %dma_start3A_108 = tpu.memref_slice %arg6[%dma_start3A_103, %dma_start3A_107] : memref<4x80xi32, #tpu.memory_space<vmem>> -> memref<1x80xi32, #tpu.memory_space<vmem>>
    %dma_start3A_109 = tpu.memref_squeeze %dma_start3A_108 : memref<1x80xi32, #tpu.memory_space<vmem>> -> memref<80xi32, #tpu.memory_space<vmem>>
    %dma_start3A_110 = arith.constant 0 : i32
    %dma_start3A_111 = arith.constant 0 : i32
    %dma_start3A_112 = tpu.memref_slice %arg2[%dma_start3A_110, %dma_start3A_111] : memref<253854x300xf32, #tpu.memory_space<hbm>> -> memref<253854x128xf32, #tpu.memory_space<hbm>>
    tpu.enqueue_indirect_dma source(%dma_start3A_112 : memref<253854x128xf32, #tpu.memory_space<hbm>>) target(%dma_start3A_106 : memref<80x128xf32, #tpu.memory_space<vmem>>) offsets(%dma_start3A_109 : memref<80xi32, #tpu.memory_space<vmem>>) semaphore(%arg8 : memref<!tpu.dma_semaphore, #tpu.memory_space<semaphore_mem>>)
    %dma_start3A_113 = arith.constant 3 : i32
    %dma_start3A_114 = arith.constant 240 : i32
    %dma_start3A_115 = arith.constant 128 : i32
    %dma_start3A_116 = tpu.memref_slice %arg7[%dma_start3A_114, %dma_start3A_115] : memref<320x384xf32, #tpu.memory_space<vmem>> -> memref<80x128xf32, #tpu.memory_space<vmem>>
    %dma_start3A_117 = arith.constant 0 : i32
    %dma_start3A_118 = tpu.memref_slice %arg6[%dma_start3A_113, %dma_start3A_117] : memref<4x80xi32, #tpu.memory_space<vmem>> -> memref<1x80xi32, #tpu.memory_space<vmem>>
    %dma_start3A_119 = tpu.memref_squeeze %dma_start3A_118 : memref<1x80xi32, #tpu.memory_space<vmem>> -> memref<80xi32, #tpu.memory_space<vmem>>
    %dma_start3A_120 = arith.constant 0 : i32
    %dma_start3A_121 = arith.constant 128 : i32
    %dma_start3A_122 = tpu.memref_slice %arg2[%dma_start3A_120, %dma_start3A_121] : memref<253854x300xf32, #tpu.memory_space<hbm>> -> memref<253854x128xf32, #tpu.memory_space<hbm>>
    tpu.enqueue_indirect_dma source(%dma_start3A_122 : memref<253854x128xf32, #tpu.memory_space<hbm>>) target(%dma_start3A_116 : memref<80x128xf32, #tpu.memory_space<vmem>>) offsets(%dma_start3A_119 : memref<80xi32, #tpu.memory_space<vmem>>) semaphore(%arg8 : memref<!tpu.dma_semaphore, #tpu.memory_space<semaphore_mem>>)
    %dma_start3A_123 = arith.constant 3 : i32
    %dma_start3A_124 = arith.constant 240 : i32
    %dma_start3A_125 = arith.constant 256 : i32
    %dma_start3A_126 = tpu.memref_slice %arg7[%dma_start3A_124, %dma_start3A_125] : memref<320x384xf32, #tpu.memory_space<vmem>> -> memref<80x128xf32, #tpu.memory_space<vmem>>
    %dma_start3A_127 = arith.constant 0 : i32
    %dma_start3A_128 = tpu.memref_slice %arg6[%dma_start3A_123, %dma_start3A_127] : memref<4x80xi32, #tpu.memory_space<vmem>> -> memref<1x80xi32, #tpu.memory_space<vmem>>
    %dma_start3A_129 = tpu.memref_squeeze %dma_start3A_128 : memref<1x80xi32, #tpu.memory_space<vmem>> -> memref<80xi32, #tpu.memory_space<vmem>>
    %dma_start3A_130 = arith.constant 0 : i32
    %dma_start3A_131 = arith.constant 0 : i32
    %dma_start3A_132 = tpu.memref_slice %arg3[%dma_start3A_130, %dma_start3A_131] : memref<253854x128xf32, #tpu.memory_space<hbm>> -> memref<253854x128xf32, #tpu.memory_space<hbm>>
    tpu.enqueue_indirect_dma source(%dma_start3A_132 : memref<253854x128xf32, #tpu.memory_space<hbm>>) target(%dma_start3A_126 : memref<80x128xf32, #tpu.memory_space<vmem>>) offsets(%dma_start3A_129 : memref<80xi32, #tpu.memory_space<vmem>>) semaphore(%arg8 : memref<!tpu.dma_semaphore, #tpu.memory_space<semaphore_mem>>)
    %dma_wait3A = arith.constant 0 : i32
    %dma_wait3A_133 = arith.constant 0 : i32
    %dma_wait3A_134 = arith.constant 0 : i32
    %dma_wait3A_135 = tpu.memref_slice %arg7[%dma_wait3A_133, %dma_wait3A_134] : memref<320x384xf32, #tpu.memory_space<vmem>> -> memref<80x128xf32, #tpu.memory_space<vmem>>
    %dma_wait3A_136 = arith.constant 0 : i32
    %dma_wait3A_137 = tpu.memref_slice %arg6[%dma_wait3A, %dma_wait3A_136] : memref<4x80xi32, #tpu.memory_space<vmem>> -> memref<1x80xi32, #tpu.memory_space<vmem>>
    %dma_wait3A_138 = tpu.memref_squeeze %dma_wait3A_137 : memref<1x80xi32, #tpu.memory_space<vmem>> -> memref<80xi32, #tpu.memory_space<vmem>>
    %dma_wait3A_139 = arith.constant 0 : i32
    %dma_wait3A_140 = arith.constant 0 : i32
    %dma_wait3A_141 = tpu.memref_slice %arg2[%dma_wait3A_139, %dma_wait3A_140] : memref<253854x300xf32, #tpu.memory_space<hbm>> -> memref<253854x128xf32, #tpu.memory_space<hbm>>
    tpu.wait_indirect_dma semaphore(%arg8 : memref<!tpu.dma_semaphore, #tpu.memory_space<semaphore_mem>>) src(%dma_wait3A_141 : memref<253854x128xf32, #tpu.memory_space<hbm>>) dst(%dma_wait3A_135 : memref<80x128xf32, #tpu.memory_space<vmem>>)
    %dma_wait3A_142 = arith.constant 0 : i32
    %dma_wait3A_143 = arith.constant 0 : i32
    %dma_wait3A_144 = arith.constant 128 : i32
    %dma_wait3A_145 = tpu.memref_slice %arg7[%dma_wait3A_143, %dma_wait3A_144] : memref<320x384xf32, #tpu.memory_space<vmem>> -> memref<80x128xf32, #tpu.memory_space<vmem>>
    %dma_wait3A_146 = arith.constant 0 : i32
    %dma_wait3A_147 = tpu.memref_slice %arg6[%dma_wait3A_142, %dma_wait3A_146] : memref<4x80xi32, #tpu.memory_space<vmem>> -> memref<1x80xi32, #tpu.memory_space<vmem>>
    %dma_wait3A_148 = tpu.memref_squeeze %dma_wait3A_147 : memref<1x80xi32, #tpu.memory_space<vmem>> -> memref<80xi32, #tpu.memory_space<vmem>>
    %dma_wait3A_149 = arith.constant 0 : i32
    %dma_wait3A_150 = arith.constant 128 : i32
    %dma_wait3A_151 = tpu.memref_slice %arg2[%dma_wait3A_149, %dma_wait3A_150] : memref<253854x300xf32, #tpu.memory_space<hbm>> -> memref<253854x128xf32, #tpu.memory_space<hbm>>
    tpu.wait_indirect_dma semaphore(%arg8 : memref<!tpu.dma_semaphore, #tpu.memory_space<semaphore_mem>>) src(%dma_wait3A_151 : memref<253854x128xf32, #tpu.memory_space<hbm>>) dst(%dma_wait3A_145 : memref<80x128xf32, #tpu.memory_space<vmem>>)
    %dma_wait3A_152 = arith.constant 0 : i32
    %dma_wait3A_153 = arith.constant 0 : i32
    %dma_wait3A_154 = arith.constant 256 : i32
    %dma_wait3A_155 = tpu.memref_slice %arg7[%dma_wait3A_153, %dma_wait3A_154] : memref<320x384xf32, #tpu.memory_space<vmem>> -> memref<80x128xf32, #tpu.memory_space<vmem>>
    %dma_wait3A_156 = arith.constant 0 : i32
    %dma_wait3A_157 = tpu.memref_slice %arg6[%dma_wait3A_152, %dma_wait3A_156] : memref<4x80xi32, #tpu.memory_space<vmem>> -> memref<1x80xi32, #tpu.memory_space<vmem>>
    %dma_wait3A_158 = tpu.memref_squeeze %dma_wait3A_157 : memref<1x80xi32, #tpu.memory_space<vmem>> -> memref<80xi32, #tpu.memory_space<vmem>>
    %dma_wait3A_159 = arith.constant 0 : i32
    %dma_wait3A_160 = arith.constant 0 : i32
    %dma_wait3A_161 = tpu.memref_slice %arg3[%dma_wait3A_159, %dma_wait3A_160] : memref<253854x128xf32, #tpu.memory_space<hbm>> -> memref<253854x128xf32, #tpu.memory_space<hbm>>
    tpu.wait_indirect_dma semaphore(%arg8 : memref<!tpu.dma_semaphore, #tpu.memory_space<semaphore_mem>>) src(%dma_wait3A_161 : memref<253854x128xf32, #tpu.memory_space<hbm>>) dst(%dma_wait3A_155 : memref<80x128xf32, #tpu.memory_space<vmem>>)
    %dma_wait3A_162 = arith.constant 1 : i32
    %dma_wait3A_163 = arith.constant 80 : i32
    %dma_wait3A_164 = arith.constant 0 : i32
    %dma_wait3A_165 = tpu.memref_slice %arg7[%dma_wait3A_163, %dma_wait3A_164] : memref<320x384xf32, #tpu.memory_space<vmem>> -> memref<80x128xf32, #tpu.memory_space<vmem>>
    %dma_wait3A_166 = arith.constant 0 : i32
    %dma_wait3A_167 = tpu.memref_slice %arg6[%dma_wait3A_162, %dma_wait3A_166] : memref<4x80xi32, #tpu.memory_space<vmem>> -> memref<1x80xi32, #tpu.memory_space<vmem>>
    %dma_wait3A_168 = tpu.memref_squeeze %dma_wait3A_167 : memref<1x80xi32, #tpu.memory_space<vmem>> -> memref<80xi32, #tpu.memory_space<vmem>>
    %dma_wait3A_169 = arith.constant 0 : i32
    %dma_wait3A_170 = arith.constant 0 : i32
    %dma_wait3A_171 = tpu.memref_slice %arg2[%dma_wait3A_169, %dma_wait3A_170] : memref<253854x300xf32, #tpu.memory_space<hbm>> -> memref<253854x128xf32, #tpu.memory_space<hbm>>
    tpu.wait_indirect_dma semaphore(%arg8 : memref<!tpu.dma_semaphore, #tpu.memory_space<semaphore_mem>>) src(%dma_wait3A_171 : memref<253854x128xf32, #tpu.memory_space<hbm>>) dst(%dma_wait3A_165 : memref<80x128xf32, #tpu.memory_space<vmem>>)
    %dma_wait3A_172 = arith.constant 1 : i32
    %dma_wait3A_173 = arith.constant 80 : i32
    %dma_wait3A_174 = arith.constant 128 : i32
    %dma_wait3A_175 = tpu.memref_slice %arg7[%dma_wait3A_173, %dma_wait3A_174] : memref<320x384xf32, #tpu.memory_space<vmem>> -> memref<80x128xf32, #tpu.memory_space<vmem>>
    %dma_wait3A_176 = arith.constant 0 : i32
    %dma_wait3A_177 = tpu.memref_slice %arg6[%dma_wait3A_172, %dma_wait3A_176] : memref<4x80xi32, #tpu.memory_space<vmem>> -> memref<1x80xi32, #tpu.memory_space<vmem>>
    %dma_wait3A_178 = tpu.memref_squeeze %dma_wait3A_177 : memref<1x80xi32, #tpu.memory_space<vmem>> -> memref<80xi32, #tpu.memory_space<vmem>>
    %dma_wait3A_179 = arith.constant 0 : i32
    %dma_wait3A_180 = arith.constant 128 : i32
    %dma_wait3A_181 = tpu.memref_slice %arg2[%dma_wait3A_179, %dma_wait3A_180] : memref<253854x300xf32, #tpu.memory_space<hbm>> -> memref<253854x128xf32, #tpu.memory_space<hbm>>
    tpu.wait_indirect_dma semaphore(%arg8 : memref<!tpu.dma_semaphore, #tpu.memory_space<semaphore_mem>>) src(%dma_wait3A_181 : memref<253854x128xf32, #tpu.memory_space<hbm>>) dst(%dma_wait3A_175 : memref<80x128xf32, #tpu.memory_space<vmem>>)
    %dma_wait3A_182 = arith.constant 1 : i32
    %dma_wait3A_183 = arith.constant 80 : i32
    %dma_wait3A_184 = arith.constant 256 : i32
    %dma_wait3A_185 = tpu.memref_slice %arg7[%dma_wait3A_183, %dma_wait3A_184] : memref<320x384xf32, #tpu.memory_space<vmem>> -> memref<80x128xf32, #tpu.memory_space<vmem>>
    %dma_wait3A_186 = arith.constant 0 : i32
    %dma_wait3A_187 = tpu.memref_slice %arg6[%dma_wait3A_182, %dma_wait3A_186] : memref<4x80xi32, #tpu.memory_space<vmem>> -> memref<1x80xi32, #tpu.memory_space<vmem>>
    %dma_wait3A_188 = tpu.memref_squeeze %dma_wait3A_187 : memref<1x80xi32, #tpu.memory_space<vmem>> -> memref<80xi32, #tpu.memory_space<vmem>>
    %dma_wait3A_189 = arith.constant 0 : i32
    %dma_wait3A_190 = arith.constant 0 : i32
    %dma_wait3A_191 = tpu.memref_slice %arg3[%dma_wait3A_189, %dma_wait3A_190] : memref<253854x128xf32, #tpu.memory_space<hbm>> -> memref<253854x128xf32, #tpu.memory_space<hbm>>
    tpu.wait_indirect_dma semaphore(%arg8 : memref<!tpu.dma_semaphore, #tpu.memory_space<semaphore_mem>>) src(%dma_wait3A_191 : memref<253854x128xf32, #tpu.memory_space<hbm>>) dst(%dma_wait3A_185 : memref<80x128xf32, #tpu.memory_space<vmem>>)
    %dma_wait3A_192 = arith.constant 2 : i32
    %dma_wait3A_193 = arith.constant 160 : i32
    %dma_wait3A_194 = arith.constant 0 : i32
    %dma_wait3A_195 = tpu.memref_slice %arg7[%dma_wait3A_193, %dma_wait3A_194] : memref<320x384xf32, #tpu.memory_space<vmem>> -> memref<80x128xf32, #tpu.memory_space<vmem>>
    %dma_wait3A_196 = arith.constant 0 : i32
    %dma_wait3A_197 = tpu.memref_slice %arg6[%dma_wait3A_192, %dma_wait3A_196] : memref<4x80xi32, #tpu.memory_space<vmem>> -> memref<1x80xi32, #tpu.memory_space<vmem>>
    %dma_wait3A_198 = tpu.memref_squeeze %dma_wait3A_197 : memref<1x80xi32, #tpu.memory_space<vmem>> -> memref<80xi32, #tpu.memory_space<vmem>>
    %dma_wait3A_199 = arith.constant 0 : i32
    %dma_wait3A_200 = arith.constant 0 : i32
    %dma_wait3A_201 = tpu.memref_slice %arg2[%dma_wait3A_199, %dma_wait3A_200] : memref<253854x300xf32, #tpu.memory_space<hbm>> -> memref<253854x128xf32, #tpu.memory_space<hbm>>
    tpu.wait_indirect_dma semaphore(%arg8 : memref<!tpu.dma_semaphore, #tpu.memory_space<semaphore_mem>>) src(%dma_wait3A_201 : memref<253854x128xf32, #tpu.memory_space<hbm>>) dst(%dma_wait3A_195 : memref<80x128xf32, #tpu.memory_space<vmem>>)
    %dma_wait3A_202 = arith.constant 2 : i32
    %dma_wait3A_203 = arith.constant 160 : i32
    %dma_wait3A_204 = arith.constant 128 : i32
    %dma_wait3A_205 = tpu.memref_slice %arg7[%dma_wait3A_203, %dma_wait3A_204] : memref<320x384xf32, #tpu.memory_space<vmem>> -> memref<80x128xf32, #tpu.memory_space<vmem>>
    %dma_wait3A_206 = arith.constant 0 : i32
    %dma_wait3A_207 = tpu.memref_slice %arg6[%dma_wait3A_202, %dma_wait3A_206] : memref<4x80xi32, #tpu.memory_space<vmem>> -> memref<1x80xi32, #tpu.memory_space<vmem>>
    %dma_wait3A_208 = tpu.memref_squeeze %dma_wait3A_207 : memref<1x80xi32, #tpu.memory_space<vmem>> -> memref<80xi32, #tpu.memory_space<vmem>>
    %dma_wait3A_209 = arith.constant 0 : i32
    %dma_wait3A_210 = arith.constant 128 : i32
    %dma_wait3A_211 = tpu.memref_slice %arg2[%dma_wait3A_209, %dma_wait3A_210] : memref<253854x300xf32, #tpu.memory_space<hbm>> -> memref<253854x128xf32, #tpu.memory_space<hbm>>
    tpu.wait_indirect_dma semaphore(%arg8 : memref<!tpu.dma_semaphore, #tpu.memory_space<semaphore_mem>>) src(%dma_wait3A_211 : memref<253854x128xf32, #tpu.memory_space<hbm>>) dst(%dma_wait3A_205 : memref<80x128xf32, #tpu.memory_space<vmem>>)
    %dma_wait3A_212 = arith.constant 2 : i32
    %dma_wait3A_213 = arith.constant 160 : i32
    %dma_wait3A_214 = arith.constant 256 : i32
    %dma_wait3A_215 = tpu.memref_slice %arg7[%dma_wait3A_213, %dma_wait3A_214] : memref<320x384xf32, #tpu.memory_space<vmem>> -> memref<80x128xf32, #tpu.memory_space<vmem>>
    %dma_wait3A_216 = arith.constant 0 : i32
    %dma_wait3A_217 = tpu.memref_slice %arg6[%dma_wait3A_212, %dma_wait3A_216] : memref<4x80xi32, #tpu.memory_space<vmem>> -> memref<1x80xi32, #tpu.memory_space<vmem>>
    %dma_wait3A_218 = tpu.memref_squeeze %dma_wait3A_217 : memref<1x80xi32, #tpu.memory_space<vmem>> -> memref<80xi32, #tpu.memory_space<vmem>>
    %dma_wait3A_219 = arith.constant 0 : i32
    %dma_wait3A_220 = arith.constant 0 : i32
    %dma_wait3A_221 = tpu.memref_slice %arg3[%dma_wait3A_219, %dma_wait3A_220] : memref<253854x128xf32, #tpu.memory_space<hbm>> -> memref<253854x128xf32, #tpu.memory_space<hbm>>
    tpu.wait_indirect_dma semaphore(%arg8 : memref<!tpu.dma_semaphore, #tpu.memory_space<semaphore_mem>>) src(%dma_wait3A_221 : memref<253854x128xf32, #tpu.memory_space<hbm>>) dst(%dma_wait3A_215 : memref<80x128xf32, #tpu.memory_space<vmem>>)
    %dma_wait3A_222 = arith.constant 3 : i32
    %dma_wait3A_223 = arith.constant 240 : i32
    %dma_wait3A_224 = arith.constant 0 : i32
    %dma_wait3A_225 = tpu.memref_slice %arg7[%dma_wait3A_223, %dma_wait3A_224] : memref<320x384xf32, #tpu.memory_space<vmem>> -> memref<80x128xf32, #tpu.memory_space<vmem>>
    %dma_wait3A_226 = arith.constant 0 : i32
    %dma_wait3A_227 = tpu.memref_slice %arg6[%dma_wait3A_222, %dma_wait3A_226] : memref<4x80xi32, #tpu.memory_space<vmem>> -> memref<1x80xi32, #tpu.memory_space<vmem>>
    %dma_wait3A_228 = tpu.memref_squeeze %dma_wait3A_227 : memref<1x80xi32, #tpu.memory_space<vmem>> -> memref<80xi32, #tpu.memory_space<vmem>>
    %dma_wait3A_229 = arith.constant 0 : i32
    %dma_wait3A_230 = arith.constant 0 : i32
    %dma_wait3A_231 = tpu.memref_slice %arg2[%dma_wait3A_229, %dma_wait3A_230] : memref<253854x300xf32, #tpu.memory_space<hbm>> -> memref<253854x128xf32, #tpu.memory_space<hbm>>
    tpu.wait_indirect_dma semaphore(%arg8 : memref<!tpu.dma_semaphore, #tpu.memory_space<semaphore_mem>>) src(%dma_wait3A_231 : memref<253854x128xf32, #tpu.memory_space<hbm>>) dst(%dma_wait3A_225 : memref<80x128xf32, #tpu.memory_space<vmem>>)
    %dma_wait3A_232 = arith.constant 3 : i32
    %dma_wait3A_233 = arith.constant 240 : i32
    %dma_wait3A_234 = arith.constant 128 : i32
    %dma_wait3A_235 = tpu.memref_slice %arg7[%dma_wait3A_233, %dma_wait3A_234] : memref<320x384xf32, #tpu.memory_space<vmem>> -> memref<80x128xf32, #tpu.memory_space<vmem>>
    %dma_wait3A_236 = arith.constant 0 : i32
    %dma_wait3A_237 = tpu.memref_slice %arg6[%dma_wait3A_232, %dma_wait3A_236] : memref<4x80xi32, #tpu.memory_space<vmem>> -> memref<1x80xi32, #tpu.memory_space<vmem>>
    %dma_wait3A_238 = tpu.memref_squeeze %dma_wait3A_237 : memref<1x80xi32, #tpu.memory_space<vmem>> -> memref<80xi32, #tpu.memory_space<vmem>>
    %dma_wait3A_239 = arith.constant 0 : i32
    %dma_wait3A_240 = arith.constant 128 : i32
    %dma_wait3A_241 = tpu.memref_slice %arg2[%dma_wait3A_239, %dma_wait3A_240] : memref<253854x300xf32, #tpu.memory_space<hbm>> -> memref<253854x128xf32, #tpu.memory_space<hbm>>
    tpu.wait_indirect_dma semaphore(%arg8 : memref<!tpu.dma_semaphore, #tpu.memory_space<semaphore_mem>>) src(%dma_wait3A_241 : memref<253854x128xf32, #tpu.memory_space<hbm>>) dst(%dma_wait3A_235 : memref<80x128xf32, #tpu.memory_space<vmem>>)
    %dma_wait3A_242 = arith.constant 3 : i32
    %dma_wait3A_243 = arith.constant 240 : i32
    %dma_wait3A_244 = arith.constant 256 : i32
    %dma_wait3A_245 = tpu.memref_slice %arg7[%dma_wait3A_243, %dma_wait3A_244] : memref<320x384xf32, #tpu.memory_space<vmem>> -> memref<80x128xf32, #tpu.memory_space<vmem>>
    %dma_wait3A_246 = arith.constant 0 : i32
    %dma_wait3A_247 = tpu.memref_slice %arg6[%dma_wait3A_242, %dma_wait3A_246] : memref<4x80xi32, #tpu.memory_space<vmem>> -> memref<1x80xi32, #tpu.memory_space<vmem>>
    %dma_wait3A_248 = tpu.memref_squeeze %dma_wait3A_247 : memref<1x80xi32, #tpu.memory_space<vmem>> -> memref<80xi32, #tpu.memory_space<vmem>>
    %dma_wait3A_249 = arith.constant 0 : i32
    %dma_wait3A_250 = arith.constant 0 : i32
    %dma_wait3A_251 = tpu.memref_slice %arg3[%dma_wait3A_249, %dma_wait3A_250] : memref<253854x128xf32, #tpu.memory_space<hbm>> -> memref<253854x128xf32, #tpu.memory_space<hbm>>
    tpu.wait_indirect_dma semaphore(%arg8 : memref<!tpu.dma_semaphore, #tpu.memory_space<semaphore_mem>>) src(%dma_wait3A_251 : memref<253854x128xf32, #tpu.memory_space<hbm>>) dst(%dma_wait3A_245 : memref<80x128xf32, #tpu.memory_space<vmem>>)
    "tpu.region"() ({
      %run_scoped3A_252 = tpu.sem_alloc : memref<!tpu.dma_semaphore, #tpu.memory_space<semaphore_mem>>
      %dma_start3A_253 = arith.constant 0 : i32
      %dma_start3A_254 = tpu.memref_slice %arg5[%mul3A_2, %dma_start3A_253] : memref<10240x384xf32, #tpu.memory_space<hbm>> -> memref<320x384xf32, #tpu.memory_space<hbm>>
      %dma_start3A_255 = arith.constant 0 : i32
      %dma_start3A_256 = tpu.memref_slice %arg5[%mul3A_2, %dma_start3A_255] : memref<10240x384xf32, #tpu.memory_space<hbm>> -> memref<320x384xf32, #tpu.memory_space<hbm>>
      tpu.enqueue_dma source(%arg7 : memref<320x384xf32, #tpu.memory_space<vmem>>) target(%dma_start3A_256 : memref<320x384xf32, #tpu.memory_space<hbm>>) target_semaphore(%run_scoped3A_252 : memref<!tpu.dma_semaphore, #tpu.memory_space<semaphore_mem>>)
      %dma_wait3A_257 = arith.constant 0 : i32
      %dma_wait3A_258 = tpu.memref_slice %arg5[%mul3A_2, %dma_wait3A_257] : memref<10240x384xf32, #tpu.memory_space<hbm>> -> memref<320x384xf32, #tpu.memory_space<hbm>>
      %dma_wait3A_259 = arith.constant 0 : i32
      %dma_wait3A_260 = tpu.memref_slice %arg5[%mul3A_2, %dma_wait3A_259] : memref<10240x384xf32, #tpu.memory_space<hbm>> -> memref<320x384xf32, #tpu.memory_space<hbm>>
      tpu.wait_dma2 semaphore(%run_scoped3A_252 : memref<!tpu.dma_semaphore, #tpu.memory_space<semaphore_mem>>) src(%arg7 : memref<320x384xf32, #tpu.memory_space<vmem>>) dst(%dma_wait3A_260 : memref<320x384xf32, #tpu.memory_space<hbm>>)
      tpu.yield
    }) : () -> ()
    return
  }
}

module attributes {stable_mosaic.version = 14 : i64} {
  func.func @body(%arg0: i32, %arg1: memref<10x1024x384xf32, #tpu.memory_space<vmem>>, %arg2: memref<1024x300xbf16, #tpu.memory_space<vmem>>) attributes {dimension_semantics = [#tpu.dimension_semantics<arbitrary>], iteration_bounds = array<i64: 1>, scalar_prefetch = 0 : i64, scratch_operands = 0 : i64, tpu.core_type = #tpu.core_type<tc>, window_params = [{pipeline_mode = #tpu.pipeline_mode<synchronous>, transform_indices = @transform_0, window_bounds = array<i64: 10, 1024, 384>}, {pipeline_mode = #tpu.pipeline_mode<synchronous>, transform_indices = @transform_1, window_bounds = array<i64: 1024, 300>}]} {
    %get3A = arith.constant 0 : index
    %get3A_0 = arith.constant 0 : index
    %get3A_1 = arith.constant 0 : index
    %get3A_2 = vector.load %arg1[%get3A, %get3A_0, %get3A_1] : memref<10x1024x384xf32, #tpu.memory_space<vmem>>, vector<10x1024x384xf32>
    %reduce_sum3A = arith.constant dense<0.000000e+00> : vector<1024x384xf32>
    %reduce_sum3A_3 = vector.multi_reduction <add>, %get3A_2, %reduce_sum3A [0] : vector<10x1024x384xf32> to vector<1024x384xf32>
    %slice3A = vector.extract_strided_slice %reduce_sum3A_3 {offsets = [0, 0], sizes = [1024, 300], strides = [1, 1]} : vector<1024x384xf32> to vector<1024x300xf32>
    %mul3A = arith.constant 1.000000e-01 : f32
    %mul3A_4 = vector.broadcast %mul3A : f32 to vector<1024x300xf32>
    %mul3A_5 = arith.mulf %slice3A, %mul3A_4 : vector<1024x300xf32>
    %convert_element_type3A = arith.truncf %mul3A_5 : vector<1024x300xf32> to vector<1024x300xbf16>
    %swap3A = arith.constant 0 : index
    %swap3A_6 = arith.constant 0 : index
    %swap3A_7 = vector.load %arg2[%swap3A, %swap3A_6] : memref<1024x300xbf16, #tpu.memory_space<vmem>>, vector<1024x300xbf16>
    tpu.vector_store %arg2[%swap3A, %swap3A_6], %convert_element_type3A {strides = array<i32>} : memref<1024x300xbf16, #tpu.memory_space<vmem>>, vector<1024x300xbf16>,
    return
  }
  func.func @transform_0(%arg0: i32) -> (i32, i32, i32) {
    %c0_i32 = arith.constant 0 : i32
    %c0_i32_0 = arith.constant 0 : i32
    %c0_i32_1 = arith.constant 0 : i32
    %c0_i32_2 = arith.constant 0 : i32
    return %c0_i32, %c0_i32_0, %c0_i32_1 : i32, i32, i32
  }
  func.func @transform_1(%arg0: i32) -> (i32, i32) {
    %c0_i32 = arith.constant 0 : i32
    %c0_i32_0 = arith.constant 0 : i32
    %c0_i32_1 = arith.constant 0 : i32
    return %c0_i32, %c0_i32_0 : i32, i32
  }
}

module attributes {stable_mosaic.version = 14 : i64} {
  func.func @body(%arg0: i32, %arg1: memref<1024x300xbf16, #tpu.memory_space<vmem>>, %arg2: memref<300x2048xf32, #tpu.memory_space<vmem>>, %arg3: memref<1x2048xf32, #tpu.memory_space<vmem>>, %arg4: memref<2048x128xbf16, #tpu.memory_space<vmem>>, %arg5: memref<1024x1xf32, #tpu.memory_space<vmem>>, %arg6: memref<1024x128xf32, #tpu.memory_space<vmem>>) attributes {dimension_semantics = [#tpu.dimension_semantics<arbitrary>], iteration_bounds = array<i64: 124>, scalar_prefetch = 0 : i64, scratch_operands = 1 : i64, tpu.core_type = #tpu.core_type<tc>, window_params = [{pipeline_mode = #tpu.pipeline_mode<synchronous>, transform_indices = @transform_0, window_bounds = array<i64: 1024, 300>}, {transform_indices = @transform_1, window_bounds = array<i64: 300, 2048>}, {transform_indices = @transform_2, window_bounds = array<i64: 1, 2048>}, {pipeline_mode = #tpu.pipeline_mode<synchronous>, transform_indices = @transform_3, window_bounds = array<i64: 2048, 128>}, {pipeline_mode = #tpu.pipeline_mode<synchronous>, transform_indices = @transform_4, window_bounds = array<i64: 1024, 1>}]} {
    %eq3A = arith.constant 0 : i32
    %eq3A_0 = arith.cmpi eq, %arg0, %eq3A : i32
    %convert_element_type3A = arith.extui %eq3A_0 : i1 to i32
    %cond3A = arith.constant 0 : i32
    %cond3A_1 = arith.cmpi ne, %convert_element_type3A, %cond3A : i32
    scf.if %cond3A_1 {
      %broadcast_in_dim3A_34 = arith.constant 0.000000e+00 : f32
      %broadcast_in_dim3A_35 = vector.broadcast %broadcast_in_dim3A_34 : f32 to vector<1024x128xf32>
      %swap3A_36 = arith.constant 0 : index
      %swap3A_37 = arith.constant 0 : index
      %swap3A_38 = vector.load %arg6[%swap3A_36, %swap3A_37] : memref<1024x128xf32, #tpu.memory_space<vmem>>, vector<1024x128xf32>
      tpu.vector_store %arg6[%swap3A_36, %swap3A_37], %broadcast_in_dim3A_35 {strides = array<i32>} : memref<1024x128xf32, #tpu.memory_space<vmem>>, vector<1024x128xf32>,
    } else {
    }
    %get3A = arith.constant 0 : index
    %get3A_2 = arith.constant 0 : index
    %get3A_3 = vector.load %arg1[%get3A, %get3A_2] : memref<1024x300xbf16, #tpu.memory_space<vmem>>, vector<1024x300xbf16>
    %get3A_4 = arith.constant 0 : index
    %get3A_5 = arith.constant 0 : index
    %get3A_6 = vector.load %arg2[%get3A_4, %get3A_5] : memref<300x2048xf32, #tpu.memory_space<vmem>>, vector<300x2048xf32>
    %convert_element_type3A_7 = arith.truncf %get3A_6 : vector<300x2048xf32> to vector<300x2048xbf16>
    %dot_general3A = arith.constant dense<0.000000e+00> : vector<1024x2048xf32>
    %dot_general3A_8 = tpu.matmul %get3A_3, %convert_element_type3A_7, %dot_general3A {dimension_numbers = #tpu.dot_dimension_numbers<[1], [0], [0], [1], [0, 0, 1, 1], [], []>, transpose_lhs_hint = false} : vector<1024x300xbf16>, vector<300x2048xbf16>, vector<1024x2048xf32> -> vector<1024x2048xf32>
    %get3A_9 = arith.constant 0 : index
    %get3A_10 = arith.constant 0 : index
    %get3A_11 = vector.load %arg3[%get3A_9, %get3A_10] : memref<1x2048xf32, #tpu.memory_space<vmem>>, vector<1x2048xf32>
    %gt3A = arith.constant -1.000000e+29 : f32
    %gt3A_12 = vector.broadcast %gt3A : f32 to vector<1x2048xf32>
    %gt3A_13 = arith.cmpf ogt, %get3A_11, %gt3A_12 : vector<1x2048xf32>
    %add3A = vector.broadcast %get3A_11 : vector<1x2048xf32> to vector<1024x2048xf32>
    %add3A_14 = arith.addf %dot_general3A_8, %add3A : vector<1024x2048xf32>
    %jit3A = arith.constant -1.000000e+30 : f32
    %broadcast_in_dim3A = vector.shape_cast %gt3A_13 : vector<1x2048xi1> to vector<1x2048xi1>
    %broadcast_in_dim3A_15 = vector.broadcast %broadcast_in_dim3A : vector<1x2048xi1> to vector<1024x2048xi1>
    %broadcast_in_dim3A_16 = vector.broadcast %jit3A : f32 to vector<1024x2048xf32>
    %select_n3A = arith.select %broadcast_in_dim3A_15, %add3A_14, %broadcast_in_dim3A_16 : vector<1024x2048xi1>, vector<1024x2048xf32>
    %exp3A = math.exp %select_n3A : vector<1024x2048xf32>
    %convert_element_type3A_17 = arith.truncf %exp3A : vector<1024x2048xf32> to vector<1024x2048xbf16>
    %get3A_18 = arith.constant 0 : index
    %get3A_19 = arith.constant 0 : index
    %get3A_20 = vector.load %arg6[%get3A_18, %get3A_19] : memref<1024x128xf32, #tpu.memory_space<vmem>>, vector<1024x128xf32>
    %get3A_21 = arith.constant 0 : index
    %get3A_22 = arith.constant 0 : index
    %get3A_23 = vector.load %arg4[%get3A_21, %get3A_22] : memref<2048x128xbf16, #tpu.memory_space<vmem>>, vector<2048x128xbf16>
    %dot_general3A_24 = arith.constant dense<0.000000e+00> : vector<1024x128xf32>
    %dot_general3A_25 = tpu.matmul %convert_element_type3A_17, %get3A_23, %dot_general3A_24 {dimension_numbers = #tpu.dot_dimension_numbers<[1], [0], [0], [1], [0, 0, 1, 1], [], []>, transpose_lhs_hint = false} : vector<1024x2048xbf16>, vector<2048x128xbf16>, vector<1024x128xf32> -> vector<1024x128xf32>
    %add3A_26 = arith.addf %get3A_20, %dot_general3A_25 : vector<1024x128xf32>
    %swap3A = arith.constant 0 : index
    %swap3A_27 = arith.constant 0 : index
    %swap3A_28 = vector.load %arg6[%swap3A, %swap3A_27] : memref<1024x128xf32, #tpu.memory_space<vmem>>, vector<1024x128xf32>
    tpu.vector_store %arg6[%swap3A, %swap3A_27], %add3A_26 {strides = array<i32>} : memref<1024x128xf32, #tpu.memory_space<vmem>>, vector<1024x128xf32>,
    %eq3A_29 = arith.constant 123 : i32
    %eq3A_30 = arith.cmpi eq, %arg0, %eq3A_29 : i32
    %convert_element_type3A_31 = arith.extui %eq3A_30 : i1 to i32
    %cond3A_32 = arith.constant 0 : i32
    %cond3A_33 = arith.cmpi ne, %convert_element_type3A_31, %cond3A_32 : i32
    scf.if %cond3A_33 {
      %get3A_34 = arith.constant 0 : index
      %get3A_35 = arith.constant 0 : index
      %get3A_36 = vector.load %arg6[%get3A_34, %get3A_35] : memref<1024x128xf32, #tpu.memory_space<vmem>>, vector<1024x1xf32>
      %swap3A_37 = arith.constant 0 : index
      %swap3A_38 = arith.constant 0 : index
      %swap3A_39 = vector.load %arg5[%swap3A_37, %swap3A_38] : memref<1024x1xf32, #tpu.memory_space<vmem>>, vector<1024x1xf32>
      tpu.vector_store %arg5[%swap3A_37, %swap3A_38], %get3A_36 {strides = array<i32>} : memref<1024x1xf32, #tpu.memory_space<vmem>>, vector<1024x1xf32>,
    } else {
    }
    return
  }
  func.func @transform_0(%arg0: i32) -> (i32, i32) {
    %c0_i32 = arith.constant 0 : i32
    %c0_i32_0 = arith.constant 0 : i32
    %c0_i32_1 = arith.constant 0 : i32
    return %c0_i32, %c0_i32_0 : i32, i32
  }
  func.func @transform_1(%arg0: i32) -> (i32, i32) {
    %c0_i32 = arith.constant 0 : i32
    %c0_i32_0 = arith.constant 0 : i32
    return %c0_i32, %arg0 : i32, i32
  }
  func.func @transform_2(%arg0: i32) -> (i32, i32) {
    %c0_i32 = arith.constant 0 : i32
    %c0_i32_0 = arith.constant 0 : i32
    return %c0_i32, %arg0 : i32, i32
  }
  func.func @transform_3(%arg0: i32) -> (i32, i32) {
    %c0_i32 = arith.constant 0 : i32
    %c0_i32_0 = arith.constant 0 : i32
    %c0_i32_1 = arith.constant 0 : i32
    return %c0_i32, %c0_i32_0 : i32, i32
  }
  func.func @transform_4(%arg0: i32) -> (i32, i32) {
    %c0_i32 = arith.constant 0 : i32
    %c0_i32_0 = arith.constant 0 : i32
    %c0_i32_1 = arith.constant 0 : i32
    return %c0_i32, %c0_i32_0 : i32, i32
  }
}

module attributes {stable_mosaic.version = 14 : i64} {
  func.func @body(%arg0: i32, %arg1: memref<1024x300xbf16, #tpu.memory_space<vmem>>, %arg2: memref<300x2048xf32, #tpu.memory_space<vmem>>, %arg3: memref<2048x1xf32, #tpu.memory_space<vmem>>, %arg4: memref<1x1024xf32, #tpu.memory_space<vmem>>, %arg5: memref<2048x1024xf32, #tpu.memory_space<vmem>>) attributes {dimension_semantics = [#tpu.dimension_semantics<arbitrary>], iteration_bounds = array<i64: 124>, scalar_prefetch = 0 : i64, scratch_operands = 0 : i64, tpu.core_type = #tpu.core_type<tc>, window_params = [{pipeline_mode = #tpu.pipeline_mode<synchronous>, transform_indices = @transform_0, window_bounds = array<i64: 1024, 300>}, {transform_indices = @transform_1, window_bounds = array<i64: 300, 2048>}, {transform_indices = @transform_2, window_bounds = array<i64: 2048, 1>}, {pipeline_mode = #tpu.pipeline_mode<synchronous>, transform_indices = @transform_3, window_bounds = array<i64: 1, 1024>}, {transform_indices = @transform_4, window_bounds = array<i64: 2048, 1024>}]} {
    %get3A = arith.constant 0 : index
    %get3A_0 = arith.constant 0 : index
    %get3A_1 = vector.load %arg2[%get3A, %get3A_0] : memref<300x2048xf32, #tpu.memory_space<vmem>>, vector<300x2048xf32>
    %convert_element_type3A = arith.truncf %get3A_1 : vector<300x2048xf32> to vector<300x2048xbf16>
    %get3A_2 = arith.constant 0 : index
    %get3A_3 = arith.constant 0 : index
    %get3A_4 = vector.load %arg1[%get3A_2, %get3A_3] : memref<1024x300xbf16, #tpu.memory_space<vmem>>, vector<1024x300xbf16>
    %dot_general3A = arith.constant dense<0.000000e+00> : vector<2048x1024xf32>
    %dot_general3A_5 = tpu.matmul %convert_element_type3A, %get3A_4, %dot_general3A {dimension_numbers = #tpu.dot_dimension_numbers<[0], [1], [1], [0], [0, 1, 1, 0], [], []>, transpose_lhs_hint = false} : vector<300x2048xbf16>, vector<1024x300xbf16>, vector<2048x1024xf32> -> vector<2048x1024xf32>
    %get3A_6 = arith.constant 0 : index
    %get3A_7 = arith.constant 0 : index
    %get3A_8 = vector.load %arg3[%get3A_6, %get3A_7] : memref<2048x1xf32, #tpu.memory_space<vmem>>, vector<2048x1xf32>
    %add3A = vector.broadcast %get3A_8 : vector<2048x1xf32> to vector<2048x1024xf32>
    %add3A_9 = arith.addf %dot_general3A_5, %add3A : vector<2048x1024xf32>
    %exp3A = math.exp %add3A_9 : vector<2048x1024xf32>
    %get3A_10 = arith.constant 0 : index
    %get3A_11 = arith.constant 0 : index
    %get3A_12 = vector.load %arg4[%get3A_10, %get3A_11] : memref<1x1024xf32, #tpu.memory_space<vmem>>, vector<1x1024xf32>
    %mul3A = vector.broadcast %get3A_12 : vector<1x1024xf32> to vector<2048x1024xf32>
    %mul3A_13 = arith.mulf %exp3A, %mul3A : vector<2048x1024xf32>
    %swap3A = arith.constant 0 : index
    %swap3A_14 = arith.constant 0 : index
    %swap3A_15 = vector.load %arg5[%swap3A, %swap3A_14] : memref<2048x1024xf32, #tpu.memory_space<vmem>>, vector<2048x1024xf32>
    tpu.vector_store %arg5[%swap3A, %swap3A_14], %mul3A_13 {strides = array<i32>} : memref<2048x1024xf32, #tpu.memory_space<vmem>>, vector<2048x1024xf32>,
    return
  }
  func.func @transform_0(%arg0: i32) -> (i32, i32) {
    %c0_i32 = arith.constant 0 : i32
    %c0_i32_0 = arith.constant 0 : i32
    %c0_i32_1 = arith.constant 0 : i32
    return %c0_i32, %c0_i32_0 : i32, i32
  }
  func.func @transform_1(%arg0: i32) -> (i32, i32) {
    %c0_i32 = arith.constant 0 : i32
    %c0_i32_0 = arith.constant 0 : i32
    return %c0_i32, %arg0 : i32, i32
  }
  func.func @transform_2(%arg0: i32) -> (i32, i32) {
    %c0_i32 = arith.constant 0 : i32
    %c0_i32_0 = arith.constant 0 : i32
    return %arg0, %c0_i32 : i32, i32
  }
  func.func @transform_3(%arg0: i32) -> (i32, i32) {
    %c0_i32 = arith.constant 0 : i32
    %c0_i32_0 = arith.constant 0 : i32
    %c0_i32_1 = arith.constant 0 : i32
    return %c0_i32, %c0_i32_0 : i32, i32
  }
  func.func @transform_4(%arg0: i32) -> (i32, i32) {
    %c0_i32 = arith.constant 0 : i32
    %c0_i32_0 = arith.constant 0 : i32
    return %arg0, %c0_i32 : i32, i32
  }
}

</mosaic_0001>

<sc_bundles>
// kernel: kernel.6.cloned.1.call-start
scs
__scs_entry_jumppad:
0x0: {  	(pc) =	sbr.rel $0x88, $3  }
0x1: {  	(tag) =	ssettag $0x0;
	lr =	simm.s32 $0x1  }
0x2: {  	[smem:$0x3F9D] =	sst lr;
	_ =	strace $0xD0000000  }
0x3: {  	_ = 	snop  }
0x4: {  	_ = 	snop  }
0x5: {  	_ = 	snop  }
0x6: {  	_ = 	snop  }
0x7: {  	_ = 	snop  }
__scs_overlays_trampoline_lowered:
0x8: {  	[smem:$0x3FAC] =	sst s0  }
0x9: {  	[smem:$0x3FAD] =	sst s1  }
0xa: {  	[smem:$0x3FAE] =	sst s2  }
0xb: {  	[smem:$0x3FAF] =	sst s3  }
0xc: {  	[smem:$0x3FB0] =	sst s4  }
0xd: {  	[smem:$0x3FB1] =	sst s5  }
0xe: {  	[smem:$0x3FB2] =	sst s6  }
0xf: {  	[smem:$0x3FB3] =	sst s7  }
0x10: {  	[smem:$0x3FB4] =	sst s8  }
0x11: {  	[smem:$0x3FB5] =	sst s9;
	s0 =	simm.s32 @!p0 $0x0  }
0x12: {  	s1 =	sld [smem:$0x3F9B];
	s0 =	simm.s32 @p0 $0x1  }
0x13: {  	[smem:$0x3FB6] =	sst s0;
	s0 =	simm.s32 @!p1 $0x0  }
0x14: {  	s2 =	sld [smem:$0x3F9A];
	s0 =	simm.s32 @p1 $0x1  }
0x15: {  	[smem:$0x3FB7] =	sst s0;
	s0 =	simm.s32 @!p2 $0x0  }
0x16: {  	s3 =	sld [smem:$0x3FDB];
	s0 =	simm.s32 @p2 $0x1  }
0x17: {  	s4 =	simm.s32 $0x1BF5;
	[smem:$0x3FB9] =	sst s0  }
0x18: {  	s0 =	sld [smem:$0x3F9C];
	_ =	swait.ge [sflag:s4], $0x0  }
0x19: {  	s7 =	sld [smem:$0x3F9D]  }
0x1a: {  	s8 =	sadd.s32 $0xFFFFE003, lr  }
0x1b: {  	s9 =	sadd.s32 $0xFFFFFEF7, lr;
	s5 =	simm.s32 $0xFFFFFFFF;
	p2 =	slt.u32 s8, $0xFFFFF086  }
0x1c: {  	p1 =	slt.u32 s9, $0xF7A;
	s5 =	simm.s32 @!p2 $0x0  }
0x1d: {  	s5 =	simm.s32 @p1 $0x1;
	p0 =	seq.s32 s7, s2  }
0x1e: {  	s7 =	smul.u32 @!p0 $0xF7A, s2;
	p2 =	seq.s32 @!p0 s5, $0x0  }
0x1f: {  	s9 =	smul.u32 $0xF7A, s1;
	s8 =	simm.s32 @!p0 $0x1BF5;
	p2 =	por !p2, p0  }
0x20: {  	[sflag:s8] =	ssyncset.s32 @!p0 $0xFFFFF086;
	s6 =	sadd.s32 @!p0 s3, s7;
	s7 =	simm.s32 @!p0 $0x108  }
0x21: {  	s3 =	sadd.s32 s3, s9;
	s6 =	sadd.s32 @!p0 $0x88, s6;
	s7 =	simm.s32 @p2 $0x1082  }
0x22: {  	[simem:s7], [sflag:s8] =	dma.local @!p0 [hbm:s6], $0xF7A  }
0x23: {  	s9 =	sor.u32 $0xD0000000, s2;
	s6 =	simm.s32 $0x108;
	_ =	swait.ge @!p0 [sflag:s8], $0x0  }
0x24: {  	s3 =	sadd.s32 $0x88, s3;
	s6 =	simm.s32 @!p1 $0x1082;
	[sflag:s4] =	ssyncset.s32 $0xFFFFF086  }
0x25: {  	[simem:s6], [sflag:s4] =	dma.local [hbm:s3], $0xF7A  }
0x26: {  	[smem:$0x3F9D] =	sst s1;
	(tag) =	ssettag s2;
	_ =	strace s9  }
0x27: {  	s1 =	sld [smem:$0x3FAD]  }
0x28: {  	s2 =	sld [smem:$0x3FAE]  }
0x29: {  	s4 =	sld [smem:$0x3FB0]  }
0x2a: {  	p0 =	seq.s32 s5, $0x0;
	s5 =	sld [smem:$0x3FB1]  }
0x2b: {  	s6 =	sld [smem:$0x3FB2]  }
0x2c: {  	s7 =	sld [smem:$0x3FB3]  }
0x2d: {  	s3 =	simm.s32 $0x108;
	s8 =	sld [smem:$0x3FB4]  }
0x2e: {  	s3 =	simm.s32 @!p0 $0x1082;
	s9 =	sld [smem:$0x3FB5]  }
0x2f: {  	lr =	sadd.s32 s0, s3;
	s0 =	sld [smem:$0x3FAC]  }
0x30: {  	s3 =	sld [smem:$0x3FAF]  }
0x31: {  	[smem:$0x3FB8] =	sst s10  }
0x32: {  	s10 =	sld [smem:$0x3FB6];
	_ =	sdelay $0x3  }
0x33: {  	p0 =	seq.s32 s10, $0x1;
	s10 =	sld [smem:$0x3FB8];
	_ =	sdelay $0x3  }
0x34: {  	[smem:$0x3FB8] =	sst s10  }
0x35: {  	s10 =	sld [smem:$0x3FB7];
	_ =	sdelay $0x3  }
0x36: {  	p1 =	seq.s32 s10, $0x1;
	s10 =	sld [smem:$0x3FB8];
	_ =	sdelay $0x3  }
0x37: {  	[smem:$0x3FB8] =	sst s10  }
0x38: {  	s10 =	sld [smem:$0x3FB9]  }
0x39: {  	_ = 	snop;
	(pc) =	sbr.ind lr, $3  }
0x3a: {  	_ = 	snop  }
0x3b: {  	_ = 	snop  }
0x3c: {  	p2 =	seq.s32 s10, $0x1;
	s10 =	sld [smem:$0x3FB8]  }
0x3d: {  	_ =	shalt  }
0x3e: {  	_ =	shalt  }
0x3f: {  	_ =	shalt  }
0x40: {  	_ =	shalt  }
0x41: {  	_ =	shalt  }
0x42: {  	_ =	shalt  }
0x43: {  	_ =	shalt  }
0x44: {  	_ =	shalt  }
0x45: {  	_ =	shalt  }
0x46: {  	_ =	shalt  }
0x47: {  	_ =	shalt  }
0x48: {  	_ =	shalt  }
0x49: {  	_ =	shalt  }
0x4a: {  	_ =	shalt  }
0x4b: {  	_ =	shalt  }
0x4c: {  	_ =	shalt  }
0x4d: {  	_ =	shalt  }
0x4e: {  	_ =	shalt  }
0x4f: {  	_ =	shalt  }
0x50: {  	_ =	shalt  }
0x51: {  	_ =	shalt  }
0x52: {  	_ =	shalt  }
0x53: {  	_ =	shalt  }
0x54: {  	_ =	shalt  }
0x55: {  	_ =	shalt  }
0x56: {  	_ =	shalt  }
0x57: {  	_ =	shalt  }
0x58: {  	_ =	shalt  }
0x59: {  	_ =	shalt  }
0x5a: {  	_ =	shalt  }
0x5b: {  	_ =	shalt  }
0x5c: {  	_ =	shalt  }
0x5d: {  	_ =	shalt  }
0x5e: {  	_ =	shalt  }
0x5f: {  	_ =	shalt  }
0x60: {  	_ =	shalt  }
0x61: {  	_ =	shalt  }
0x62: {  	_ =	shalt  }
0x63: {  	_ =	shalt  }
0x64: {  	_ =	shalt  }
0x65: {  	_ =	shalt  }
0x66: {  	_ =	shalt  }
0x67: {  	_ =	shalt  }
0x68: {  	_ =	shalt  }
0x69: {  	_ =	shalt  }
0x6a: {  	_ =	shalt  }
0x6b: {  	_ =	shalt  }
0x6c: {  	_ =	shalt  }
0x6d: {  	_ =	shalt  }
0x6e: {  	_ =	shalt  }
0x6f: {  	_ =	shalt  }
0x70: {  	_ =	shalt  }
0x71: {  	_ =	shalt  }
0x72: {  	_ =	shalt  }
0x73: {  	_ =	shalt  }
0x74: {  	_ =	shalt  }
0x75: {  	_ =	shalt  }
0x76: {  	_ =	shalt  }
0x77: {  	_ =	shalt  }
0x78: {  	_ =	shalt  }
0x79: {  	_ =	shalt  }
0x7a: {  	_ =	shalt  }
0x7b: {  	_ =	shalt  }
0x7c: {  	_ =	shalt  }
0x7d: {  	_ =	shalt  }
0x7e: {  	_ =	shalt  }
0x7f: {  	_ =	shalt  }
0x80: {  	_ =	shalt  }
0x81: {  	_ =	shalt  }
0x82: {  	_ =	shalt  }
0x83: {  	_ =	shalt  }
0x84: {  	_ =	shalt  }
0x85: {  	_ =	shalt  }
0x86: {  	_ =	shalt  }
0x87: {  	_ =	shalt  }
.Lfunc_end0:
.L_simem_size_0:
called_computation_lowered:
.L_overlay_start_0:
0x88: {  	s2 =	sld [smem:$0x3FD9]  }
0x89: {  	s3 =	sld [smem:$0x3FFE];
	_ =	sdelay $0x1  }
0x8a: {  	s1 =	srdreg.scid  }
0x8b: {  	s0 =	sand.u32 $0x1, s1  }
0x8c: {  	s17 =	sshll.u32 s0, $0xA;
	s2 =	sadd.s32 s3, s2  }
0x8d: {  	s2 =	sadd.s32 s2, s17  }
0x8e: {  	[smem:$0x3FC4] =	sst s2  }
0x8f: {  	_ = 	snop  }
0x90: {  	s2 =	sld [smem:$0x3FD0];
	(tm) =	ssettm $0x1  }
0x91: {  	s18 =	sld [smem:$0x3FFB];
	_ =	sdelay $0x3  }
0x92: {  	_ =	strace s18  }
0x93: {  	s3 =	sld [smem:$0x3FFC];
	_ =	sdelay $0x3  }
0x94: {  	_ =	strace s3  }
0x95: {  	s3 =	sld [smem:$0x3FFD];
	_ =	sdelay $0x3  }
0x96: {  	_ =	strace s3  }
0x97: {  	_ =	strace $0x8FFFFFFF  }
0x98: {  	s19 =	sld [smem:$0x3FDB];
	_ =	sdelay $0x1  }
0x99: {  	s4 =	simm.s32 $_scs_section_size  }
0x9a: {  	s5 =	simm.s32 $_size__tile_overlayer_lowered;
	s6 =	simm.s32 $_tile_overlayer_lowered  }
0x9b: {  	s22 =	simm.s32 $0x1BFF;
	s21 =	sshll.u32 s6, $0x1;
	s3 =	sadd.s32 s4, s19  }
0x9c: {  	s7 =	simm.s32 $0x0;
	s20 =	sshll.u32 s5, $0x1;
	s5 =	sadd.s32 s21, s3  }
0x9d: {  	[timem:s7], [sflag:s22] =	dma.local [hbm:s5], s20  }
0x9e: {  	_ =	swait.ge [sflag:s22], s20  }
0x9f: {  	s4 =	ssub.s32 $0x0, s20;
	[sflag:s22] =	ssyncset.done $0x0  }
0xa0: {  	[sflag:s22] =	ssyncadd.s32 s4;
	_ =	sdelay $0x1  }
0xa1: {  	s23 =	simm.s32 $0x1B8B  }
0xa2: {  	_ =	swait.ge [sflag:s23], $0x1  }
0xa3: {  	[sflag:s23] =	ssyncset.done $0x0  }
0xa4: {  	s25 =	simm.s32 $0x1B8E;
	s24 =	sld [smem:$0x3FFE];
	[sflag:s23] =	ssyncadd.s32 $0xFFFFFFFF  }
0xa5: {  	s26 =	simm.s32 $execute0_lowered;
	[smem:$0x3FD2] =	sst s25  }
0xa6: {  	s5 =	sshll.u32 s26, $0x1;
	_ =	strace $0x80000046;
	[dreg:$0x1] =	wrdreg $0xFFFFFFFF  }
0xa7: {  	s28 =	simm.s32 $_size_execute0_lowered;
	s3 =	sadd.s32 s3, s5;
	[dreg:$0x0] =	wrdreg $0x0  }
0xa8: {  	s5 =	sshll.u32 s28, $0x1;
	[dreg:$0x2] =	wrdreg s3  }
0xa9: {  	[dreg:$0x3] =	wrdreg s5  }
0xaa: {  	[dreg:$0x4] =	wrdreg $0xC0  }
0xab: {  	_ =	task [dreg:s7], $0x5FFFF  }
0xac: {  	[dreg:$0x1] =	wrdreg $0xFFFFFFFF  }
0xad: {  	[dreg:$0x0] =	wrdreg $0x60  }
0xae: {  	[dreg:$0x2] =	wrdreg s2  }
0xaf: {  	[dreg:$0x3] =	wrdreg s24  }
0xb0: {  	[dreg:$0x4] =	wrdreg $0x9  }
0xb1: {  	_ =	task.clear_ibuf [dreg:s7], $0x5FFFF;
	_ =	strace $0x90000046  }
0xb2: {  	s29 =	simm.s32 $0x9;
	_ =	strace $0x80000048  }
0xb3: {  	_ =	swait.ge [sflag:s29], $0x1  }
0xb4: {  	[sflag:s29] =	ssyncadd.s32 $0xFFFFFFFF  }
0xb5: {  	_ =	strace $0x90000048  }
0xb6: {  	_ =	sfence  }
0xb7: {  	s30 =	sld [smem:$0x0];
	_ =	sdelay $0x2  }
0xb8: {  	s31 =	sshll.u32 s1, $0xD;
	s1 =	sshrl.u32 s1, $0x2  }
0xb9: {  	s3 =	sand.u32 $0x4000, s31;
	s1 =	sadd.s32 s1, s30  }
0xba: {  	s0 =	sor.u32 s3, s0;
	s1 =	sshll.u32 s1, $0x11  }
0xbb: {  	s0 =	sor.u32 s1, s0  }
0xbc: {  	s0 =	sadd.s32 $0x8F2B, s0  }
0xbd: {  	[sflag:s0] =	ssyncadd.remote.s32 $0x1  }
0xbe: {  	_ =	sfence.sel $0xFFFF  }
0xbf: {  	[dreg:$0x0] =	wrdreg $0xFFFFFFFF;
	(pc) =	sbr.abs _section_cstart, $3  }
0xc0: {  	[dreg:$0x1] =	wrdreg $0xFFFFFFFF  }
0xc1: {  	_ =	task.clear_ibuf [dreg:s7], $0x2FFFF;
	_ =	strace $0x9FFFFFFF  }
0xc2: {  	(tm) =	ssettm $0x7FFFFFFF  }
0xc3: {  	_ =	shalt  }
tec
execute0_lowered:
.L_overlay_start_1:
0x0: {  	(tag) =	ssettag $0x1  }
0x1: {  	s1 =	srdreg.scid;
	s0 =	stileid.u32  }
0x2: {  	s1 =	sand.u32 $0x1, s1;
	s2 =	sshll.u32 s0, $0x1  }
0x3: {  	s4 =	rddreg [dreg:$0x1];
	s3 =	sor.u32 s1, s2  }
0x4: {  	s2 =	rddreg [dreg:$0x0];
	s5 =	smul.u32 $0x140, s3;
	s3 =	simm.s32 $0x0  }
0x5: {  	s14 =	simm.s32 $0x80;
	[smem:$0x7FF] =	sst s3  }
0x6: {  	s15 =	simm.s32 $0x100;
	_ =	strace $0x80000047;
	[dreg:$0x8] =	wrdreg s14  }
0x7: {  	s16 =	simm.s32 $0x180;
	[dreg:$0x9] =	wrdreg s15  }
0x8: {  	s17 =	simm.s32 $0xE00;
	[dreg:$0xa] =	wrdreg s16  }
0x9: {  	s18 =	simm.s32 $0x1A00;
	[dreg:$0xb] =	wrdreg s17  }
0xa: {  	s19 =	simm.s32 $0x2600;
	[dreg:$0xc] =	wrdreg s18  }
0xb: {  	s20 =	simm.s32 $0x3200;
	[dreg:$0xd] =	wrdreg s19  }
0xc: {  	s21 =	simm.s32 $0x3E00;
	[dreg:$0xe] =	wrdreg s20  }
0xd: {  	s22 =	simm.s32 $0x4A00;
	[dreg:$0xf] =	wrdreg s21  }
0xe: {  	s23 =	simm.s32 $0x5600;
	[dreg:$0x10] =	wrdreg s22  }
0xf: {  	s24 =	simm.s32 $0x6200;
	[dreg:$0x11] =	wrdreg s23  }
0x10: {  	s25 =	simm.s32 $0x6E00;
	[dreg:$0x12] =	wrdreg s24  }
0x11: {  	s26 =	simm.s32 $0x600;
	[dreg:$0x13] =	wrdreg s25  }
0x12: {  	s0 =	simm.s32 $0x1200;
	[dreg:$0x14] =	wrdreg s26  }
0x13: {  	s8 =	simm.s32 $0x3600;
	[dreg:$0x15] =	wrdreg s0  }
0x14: {  	s9 =	simm.s32 $0x4200;
	[dreg:$0x18] =	wrdreg s8  }
0x15: {  	s10 =	simm.s32 $0x4E00;
	[dreg:$0x19] =	wrdreg s9  }
0x16: {  	s11 =	simm.s32 $0x5A00;
	[dreg:$0x1a] =	wrdreg s10  }
0x17: {  	[dreg:$0x1b] =	wrdreg s11;
	s14 =	simm.s32 $0xA00  }
0x18: {  	s15 =	simm.s32 $0x1600;
	[dreg:$0x1e] =	wrdreg s14  }
0x19: {  	s16 =	simm.s32 $0x2200;
	[dreg:$0x1f] =	wrdreg s15  }
0x1a: {  	s17 =	simm.s32 $0x2E00;
	[smem:$0x7B2] =	sst s16  }
0x1b: {  	s18 =	simm.s32 $0x3A00;
	[smem:$0x7B3] =	sst s17  }
0x1c: {  	s19 =	simm.s32 $0x4600;
	[smem:$0x7B4] =	sst s18  }
0x1d: {  	s20 =	simm.s32 $0x5200;
	[smem:$0x7B5] =	sst s19  }
0x1e: {  	s21 =	simm.s32 $0x5E00;
	[smem:$0x7B6] =	sst s20  }
0x1f: {  	s22 =	simm.s32 $0x6A00;
	[smem:$0x7B7] =	sst s21  }
0x20: {  	s23 =	simm.s32 $0x7600;
	[smem:$0x7B8] =	sst s22  }
0x21: {  	s24 =	simm.s32 $0x7A00;
	[smem:$0x7B9] =	sst s23  }
0x22: {  	s25 =	simm.s32 $0x8600;
	[smem:$0x7BA] =	sst s24  }
0x23: {  	s26 =	simm.s32 $0x9200;
	[smem:$0x7BB] =	sst s25  }
0x24: {  	s0 =	simm.s32 $0x9E00;
	[smem:$0x7BC] =	sst s26  }
0x25: {  	s8 =	simm.s32 $0xC200;
	[smem:$0x7BD] =	sst s0  }
0x26: {  	s9 =	simm.s32 $0xCE00;
	[smem:$0x7C0] =	sst s8  }
0x27: {  	s10 =	simm.s32 $0xDA00;
	[smem:$0x7C1] =	sst s9  }
0x28: {  	s11 =	simm.s32 $0xE600;
	[smem:$0x7C2] =	sst s10  }
0x29: {  	[smem:$0x7C3] =	sst s11;
	s14 =	simm.s32 $0x9600  }
0x2a: {  	s15 =	simm.s32 $0xA200;
	[smem:$0x7C6] =	sst s14  }
0x2b: {  	s16 =	simm.s32 $0xAE00;
	[smem:$0x7C7] =	sst s15  }
0x2c: {  	s17 =	simm.s32 $0xBA00;
	[smem:$0x7C8] =	sst s16  }
0x2d: {  	s18 =	simm.s32 $0xC600;
	[smem:$0x7C9] =	sst s17  }
0x2e: {  	s19 =	simm.s32 $0xD200;
	[smem:$0x7CA] =	sst s18  }
0x2f: {  	s20 =	simm.s32 $0xDE00;
	[smem:$0x7CB] =	sst s19  }
0x30: {  	s21 =	simm.s32 $0xEA00;
	[smem:$0x7CC] =	sst s20  }
0x31: {  	s22 =	simm.s32 $0x8200;
	[smem:$0x7CD] =	sst s21  }
0x32: {  	s23 =	simm.s32 $0x8E00;
	[smem:$0x7CE] =	sst s22  }
0x33: {  	s24 =	simm.s32 $0x9A00;
	[smem:$0x7CF] =	sst s23  }
0x34: {  	s25 =	simm.s32 $0xA600;
	[smem:$0x7D0] =	sst s24  }
0x35: {  	s26 =	simm.s32 $0xB200;
	[smem:$0x7D1] =	sst s25  }
0x36: {  	s0 =	simm.s32 $0xBE00;
	[smem:$0x7D2] =	sst s26  }
0x37: {  	s8 =	simm.s32 $0xE200;
	[smem:$0x7D3] =	sst s0  }
0x38: {  	s9 =	simm.s32 $0xEE00;
	[smem:$0x7D6] =	sst s8  }
0x39: {  	s5 =	sshrl.u32 s5, $0x3;
	s10 =	simm.s32 $0xF200;
	[smem:$0x7D7] =	sst s9  }
0x3a: {  	s6 =	sadd.s32 s5, s4;
	s11 =	simm.s32 $0xFE00;
	[smem:$0x7D8] =	sst s10  }
0x3b: {  	s7 =	sadd.s32 $0x400, s6;
	[smem:$0x7D9] =	sst s11  }
0x3c: {  	s12 =	sadd.s32 $0x40A, s6;
	[dreg:$0x3] =	wrdreg s7  }
0x3d: {  	s13 =	sadd.s32 $0x414, s6;
	[dreg:$0x4] =	wrdreg s12  }
0x3e: {  	s6 =	sadd.s32 $0x41E, s6;
	[dreg:$0x5] =	wrdreg s13  }
0x3f: {  	s14 =	simm.s32 $0x12200;
	[dreg:$0x6] =	wrdreg s6  }
0x40: {  	s15 =	simm.s32 $0x12E00;
	[smem:$0x7DC] =	sst s14  }
0x41: {  	s16 =	simm.s32 $0x13A00;
	[smem:$0x7DD] =	sst s15  }
0x42: {  	s17 =	simm.s32 $0x14600;
	[smem:$0x7DE] =	sst s16  }
0x43: {  	s18 =	simm.s32 $0x15200;
	[smem:$0x7DF] =	sst s17  }
0x44: {  	s19 =	simm.s32 $0x15E00;
	[smem:$0x7E0] =	sst s18  }
0x45: {  	s20 =	simm.s32 $0xF600;
	[smem:$0x7E1] =	sst s19  }
0x46: {  	s21 =	simm.s32 $0x10200;
	[smem:$0x7E2] =	sst s20  }
0x47: {  	s22 =	simm.s32 $0x10E00;
	[smem:$0x7E3] =	sst s21  }
0x48: {  	s23 =	simm.s32 $0x11A00;
	[smem:$0x7E4] =	sst s22  }
0x49: {  	s24 =	simm.s32 $0x12600;
	[smem:$0x7E5] =	sst s23  }
0x4a: {  	s25 =	simm.s32 $0x13200;
	[smem:$0x7E6] =	sst s24  }
0x4b: {  	s26 =	simm.s32 $0x13E00;
	[smem:$0x7E7] =	sst s25  }
0x4c: {  	s0 =	simm.s32 $0x14A00;
	[smem:$0x7E8] =	sst s26  }
0x4d: {  	s8 =	simm.s32 $0xFA00;
	[smem:$0x7E9] =	sst s0  }
0x4e: {  	s9 =	simm.s32 $0x10600;
	[smem:$0x7EC] =	sst s8  }
0x4f: {  	s10 =	simm.s32 $0x11200;
	[smem:$0x7ED] =	sst s9  }
0x50: {  	s11 =	simm.s32 $0x11E00;
	[smem:$0x7EE] =	sst s10  }
0x51: {  	s6 =	simm.s32 $0x1E00;
	[smem:$0x7EF] =	sst s11  }
0x52: {  	s7 =	simm.s32 $0x2A00;
	[dreg:$0x16] =	wrdreg s6  }
0x53: {  	s28 =	simm.s32 $0x1BA00;
	s12 =	simm.s32 $0x6600;
	[dreg:$0x17] =	wrdreg s7  }
0x54: {  	s29 =	simm.s32 $0x1C600;
	s13 =	simm.s32 $0x7200;
	[dreg:$0x1c] =	wrdreg s12  }
0x55: {  	s30 =	simm.s32 $0x1D200;
	s14 =	simm.s32 $0x14200;
	[dreg:$0x1d] =	wrdreg s13  }
0x56: {  	s31 =	simm.s32 $0x1DE00;
	s15 =	simm.s32 $0x14E00;
	[smem:$0x7F2] =	sst s14  }
0x57: {  	s5 =	smul.u32 $0x180, s5;
	s16 =	simm.s32 $0x15A00;
	[smem:$0x7F3] =	sst s15  }
0x58: {  	s1 =	ssub.s32 $0x2, s1;
	s17 =	simm.s32 $0x16600;
	[smem:$0x7F4] =	sst s16  }
0x59: {  	s5 =	sadd.s32 s5, s4;
	s18 =	simm.s32 $0x16A00;
	[smem:$0x7F5] =	sst s17  }
0x5a: {  	s4 =	sadd.s32 $0x3E0400, s4;
	s19 =	simm.s32 $0x17600;
	[smem:$0x7F6] =	sst s18  }
0x5b: {  	s20 =	sshrl.u32 s1, $0x1;
	s21 =	simm.s32 $0x18200;
	[smem:$0x7F7] =	sst s19  }
0x5c: {  	s22 =	simm.s32 $0x18E00;
	s23 =	simm.s32 $0x19A00;
	[smem:$0x7F8] =	sst s21  }
0x5d: {  	s24 =	simm.s32 $0x1A600;
	s25 =	simm.s32 $0x1B200;
	[smem:$0x7F9] =	sst s22  }
0x5e: {  	s8 =	simm.s32 $0x200;
	s26 =	simm.s32 $0x1BE00;
	[smem:$0x7FA] =	sst s23  }
0x5f: {  	s10 =	simm.s32 $0x1D600;
	s11 =	simm.s32 $0x16E00;
	[smem:$0x7FB] =	sst s24  }
0x60: {  	s5 =	sadd.s32 $0xA00, s5;
	s6 =	simm.s32 $0xAA00;
	[smem:$0x7FC] =	sst s25  }
0x61: {  	s7 =	simm.s32 $0xB600;
	s12 =	simm.s32 $0x7E00;
	[smem:$0x7FD] =	sst s26  }
0x62: {  	s13 =	simm.s32 $0x8A00;
	s1 =	ssub.s32 s1, s20;
	[dreg:$0x7] =	wrdreg s5  }
0x63: {  	s14 =	simm.s32 $0x19200;
	s15 =	simm.s32 $0x19E00;
	[smem:$0x7BE] =	sst s6  }
0x64: {  	s16 =	simm.s32 $0x1AA00;
	s17 =	simm.s32 $0x1B600;
	[smem:$0x7BF] =	sst s7  }
0x65: {  	s18 =	simm.s32 $0x1C200;
	s19 =	simm.s32 $0x1CE00;
	[smem:$0x7C4] =	sst s12  }
0x66: {  	s20 =	simm.s32 $0x1DA00;
	[smem:$0x7C5] =	sst s13;
	s6 =	simm.s32 $0xCA00  }
0x67: {  	s21 =	simm.s32 $0x17200;
	s7 =	simm.s32 $0xD600;
	[smem:$0x7D4] =	sst s6  }
0x68: {  	s22 =	simm.s32 $0x17E00;
	s12 =	simm.s32 $0x10A00;
	[smem:$0x7D5] =	sst s7  }
0x69: {  	s23 =	simm.s32 $0x18A00;
	s13 =	simm.s32 $0x11600;
	[smem:$0x7DA] =	sst s12  }
0x6a: {  	s24 =	simm.s32 $0x19600;
	[smem:$0x7DB] =	sst s13;
	s6 =	simm.s32 $0x15600  }
0x6b: {  	s25 =	simm.s32 $0x1A200;
	s7 =	simm.s32 $0x16200;
	[smem:$0x7EA] =	sst s6  }
0x6c: {  	s26 =	simm.s32 $0x1AE00;
	s12 =	simm.s32 $0x12A00;
	[smem:$0x7EB] =	sst s7  }
0x6d: {  	v2 =	vlaneseq.u32;
	s5 =	sadd.s32 $0x80, s2;
	s13 =	simm.s32 $0x13600;
	[smem:$0x7F0] =	sst s12  }
0x6e: {  	vm0 =	vmmov $0xff;
	v1 =	vshrl.u32 v2, $0x3;
	[smem:$0x7F1] =	sst s13;
	s6 =	smax.u32 s1, $0x1;
	s7 =	simm.s32 $0x2  }
0x6f: {  	v0 =	vand.u32 $0x7, v2;
	v2 =	vor.u32 $0x8, v2;
	v1 =	vmul.u32 $0x8, v1;
	s12 =	simm.s32 $0x17A00;
	s13 =	simm.s32 $0x18600;
	s1 =	simm.s32 $0x1  }
.LBB2_1:
0x70: {  	s0 =	rddreg [dreg:$0x3]  }
0x71: {  	[tilespmem:s3], [sflag:$0x2] =	stream.linear.gather [hbm4b:s0+s3], $0x50, $0x38;
	[tilespmem:$0x1E200] =	vst v63  }
0x72: {  	_ =	swait.ge [sflag:s7], $0x50  }
0x73: {  	s0 =	rddreg [dreg:$0x4];
	[sflag:s7] =	ssyncset.done $0x0  }
0x74: {  	s9 =	rddreg [dreg:$0x8];
	[sflag:s7] =	ssyncadd.s32 $0xFFFFFFB0  }
0x75: {  	[tilespmem:s9], [sflag:$0x2] =	stream.linear.gather [hbm4b:s0+s3], $0x50, $0x38;
	[tilespmem:$0x1E200] =	vst v63  }
0x76: {  	_ =	swait.ge [sflag:s7], $0x50  }
0x77: {  	s0 =	rddreg [dreg:$0x5];
	[sflag:s7] =	ssyncset.done $0x0  }
0x78: {  	s9 =	rddreg [dreg:$0x9];
	[sflag:s7] =	ssyncadd.s32 $0xFFFFFFB0  }
0x79: {  	[tilespmem:s9], [sflag:$0x2] =	stream.linear.gather [hbm4b:s0+s3], $0x50, $0x38;
	[tilespmem:$0x1E200] =	vst v63  }
0x7a: {  	_ =	swait.ge [sflag:s7], $0x50  }
0x7b: {  	s0 =	rddreg [dreg:$0x6];
	[sflag:s7] =	ssyncset.done $0x0  }
0x7c: {  	s9 =	rddreg [dreg:$0xa];
	[sflag:s7] =	ssyncadd.s32 $0xFFFFFFB0  }
0x7d: {  	[tilespmem:s9], [sflag:$0x2] =	stream.linear.gather [hbm4b:s0+s3], $0x50, $0x38;
	[tilespmem:$0x1E200] =	vst v63  }
0x7e: {  	_ =	swait.ge [sflag:s7], $0x50  }
0x7f: {  	[sflag:s7] =	ssyncset.done $0x0  }
0x80: {  	[sflag:s7] =	ssyncadd.s32 $0xFFFFFFB0  }
0x81: {  	v3 =	vld [tilespmem:$0x0];
	_ =	sdelay $0x4  }
0x82: {  	v4 =	vshrl.u32 v3, $0x3  }
0x83: {  	v4 =	vmul.u32 $0x18, v4  }
0x84: {  	v3 =	vand.u32 $0x7, v3  }
0x85: {  	v3 =	vor.u32 v3, v4  }
0x86: {  	v4 =	vperm.xlane v3, v0;
	_ =	sdelay $0x1  }
0x87: {  	v3 =	vperm.xlane v3, v2;
	v4 =	vadd.s32 v1, v4;
	_ =	sdelay $0x1  }
0x88: {  	v3 =	vadd.s32 v1, v3;
	_ =	sdelay $0x2  }
0x89: {  	[tilespmem:s8], [sflag:$0x1] =	stream.indirect_vreg.gather [hbm4b:s2+s3], $0x80, v4, vm0, $0xb8;
	[tilespmem:$0x1E200] =	vst v63  }
0x8a: {  	s9 =	rddreg [dreg:$0xb]  }
0x8b: {  	[tilespmem:s9], [sflag:$0x1] =	stream.indirect_vreg.gather [hbm4b:s2+s3], $0x80, v3, vm0, $0xb8;
	[tilespmem:$0x1E200] =	vst v63  }
0x8c: {  	v3 =	vld [tilespmem:$0x10];
	_ =	sdelay $0x4  }
0x8d: {  	v61 =	vshrl.u32 v3, $0x3  }
0x8e: {  	v4 =	vmul.u32 $0x18, v61  }
0x8f: {  	v3 =	vand.u32 $0x7, v3  }
0x90: {  	v3 =	vor.u32 v3, v4  }
0x91: {  	v4 =	vperm.xlane v3, v0;
	_ =	sdelay $0x1  }
0x92: {  	v3 =	vperm.xlane v3, v2;
	v4 =	vadd.s32 v1, v4;
	_ =	sdelay $0x1  }
0x93: {  	v3 =	vadd.s32 v1, v3;
	_ =	sdelay $0x1  }
0x94: {  	s0 =	rddreg [dreg:$0xc]  }
0x95: {  	[tilespmem:s0], [sflag:$0x1] =	stream.indirect_vreg.gather [hbm4b:s2+s3], $0x80, v4, vm0, $0xb8;
	[tilespmem:$0x1E200] =	vst v63  }
0x96: {  	s9 =	rddreg [dreg:$0xd]  }
0x97: {  	[tilespmem:s9], [sflag:$0x1] =	stream.indirect_vreg.gather [hbm4b:s2+s3], $0x80, v3, vm0, $0xb8;
	[tilespmem:$0x1E200] =	vst v63  }
0x98: {  	v3 =	vld [tilespmem:$0x20];
	_ =	sdelay $0x4  }
0x99: {  	v62 =	vshrl.u32 v3, $0x3  }
0x9a: {  	v4 =	vmul.u32 $0x18, v62  }
0x9b: {  	v3 =	vand.u32 $0x7, v3  }
0x9c: {  	v3 =	vor.u32 v3, v4  }
0x9d: {  	v4 =	vperm.xlane v3, v0;
	_ =	sdelay $0x1  }
0x9e: {  	v3 =	vperm.xlane v3, v2;
	v4 =	vadd.s32 v1, v4;
	_ =	sdelay $0x1  }
0x9f: {  	v3 =	vadd.s32 v1, v3;
	_ =	sdelay $0x1  }
0xa0: {  	s0 =	rddreg [dreg:$0xe]  }
0xa1: {  	[tilespmem:s0], [sflag:$0x1] =	stream.indirect_vreg.gather [hbm4b:s2+s3], $0x80, v4, vm0, $0xb8;
	[tilespmem:$0x1E200] =	vst v63  }
0xa2: {  	s9 =	rddreg [dreg:$0xf]  }
0xa3: {  	[tilespmem:s9], [sflag:$0x1] =	stream.indirect_vreg.gather [hbm4b:s2+s3], $0x80, v3, vm0, $0xb8;
	[tilespmem:$0x1E200] =	vst v63  }
0xa4: {  	v3 =	vld [tilespmem:$0x30];
	_ =	sdelay $0x4  }
0xa5: {  	v63 =	vshrl.u32 v3, $0x3  }
0xa6: {  	v4 =	vmul.u32 $0x18, v63  }
0xa7: {  	v3 =	vand.u32 $0x7, v3  }
0xa8: {  	v3 =	vor.u32 v3, v4  }
0xa9: {  	v4 =	vperm.xlane v3, v0;
	_ =	sdelay $0x1  }
0xaa: {  	v3 =	vperm.xlane v3, v2;
	v4 =	vadd.s32 v1, v4;
	_ =	sdelay $0x1  }
0xab: {  	v3 =	vadd.s32 v1, v3;
	_ =	sdelay $0x1  }
0xac: {  	s0 =	rddreg [dreg:$0x10]  }
0xad: {  	[tilespmem:s0], [sflag:$0x1] =	stream.indirect_vreg.gather [hbm4b:s2+s3], $0x80, v4, vm0, $0xb8;
	[tilespmem:$0x1E200] =	vst v63  }
0xae: {  	s9 =	rddreg [dreg:$0x11]  }
0xaf: {  	[tilespmem:s9], [sflag:$0x1] =	stream.indirect_vreg.gather [hbm4b:s2+s3], $0x80, v3, vm0, $0xb8;
	[tilespmem:$0x1E200] =	vst v63  }
0xb0: {  	v3 =	vld [tilespmem:$0x40];
	_ =	sdelay $0x4  }
0xb1: {  	v8 =	vshrl.u32 v3, $0x3  }
0xb2: {  	v4 =	vmul.u32 $0x18, v8  }
0xb3: {  	v3 =	vand.u32 $0x7, v3  }
0xb4: {  	v3 =	vor.u32 v3, v4  }
0xb5: {  	v4 =	vperm.xlane v3, v0;
	_ =	sdelay $0x1  }
0xb6: {  	v3 =	vperm.xlane v3, v2;
	v4 =	vadd.s32 v1, v4;
	_ =	sdelay $0x1  }
0xb7: {  	v3 =	vadd.s32 v1, v3;
	_ =	sdelay $0x1  }
0xb8: {  	s0 =	rddreg [dreg:$0x12]  }
0xb9: {  	[tilespmem:s0], [sflag:$0x1] =	stream.indirect_vreg.gather [hbm4b:s2+s3], $0x80, v4, vm0, $0xb8;
	[tilespmem:$0x1E200] =	vst v63  }
0xba: {  	s9 =	rddreg [dreg:$0x13]  }
0xbb: {  	[tilespmem:s9], [sflag:$0x1] =	stream.indirect_vreg.gather [hbm4b:s2+s3], $0x80, v3, vm0, $0xb8;
	[tilespmem:$0x1E200] =	vst v63  }
0xbc: {  	v3 =	vld [tilespmem:$0x0];
	_ =	sdelay $0x4  }
0xbd: {  	v9 =	vshrl.u32 v3, $0x3  }
0xbe: {  	v4 =	vmul.u32 $0x18, v9  }
0xbf: {  	v3 =	vand.u32 $0x7, v3  }
0xc0: {  	v3 =	vor.u32 v3, v4  }
0xc1: {  	v4 =	vperm.xlane v3, v0;
	_ =	sdelay $0x1  }
0xc2: {  	v3 =	vperm.xlane v3, v2;
	v4 =	vadd.s32 v1, v4;
	_ =	sdelay $0x1  }
0xc3: {  	v3 =	vadd.s32 v1, v3;
	_ =	sdelay $0x1  }
0xc4: {  	s0 =	rddreg [dreg:$0x14]  }
0xc5: {  	[tilespmem:s0], [sflag:$0x1] =	stream.indirect_vreg.gather [hbm4b:s5+s3], $0x80, v4, vm0, $0xb8;
	[tilespmem:$0x1E200] =	vst v63  }
0xc6: {  	s9 =	rddreg [dreg:$0x15]  }
0xc7: {  	[tilespmem:s9], [sflag:$0x1] =	stream.indirect_vreg.gather [hbm4b:s5+s3], $0x80, v3, vm0, $0xb8;
	[tilespmem:$0x1E200] =	vst v63  }
0xc8: {  	v3 =	vld [tilespmem:$0x10];
	_ =	sdelay $0x4  }
0xc9: {  	v10 =	vshrl.u32 v3, $0x3  }
0xca: {  	v4 =	vmul.u32 $0x18, v10  }
0xcb: {  	v3 =	vand.u32 $0x7, v3  }
0xcc: {  	v3 =	vor.u32 v3, v4  }
0xcd: {  	v4 =	vperm.xlane v3, v0;
	_ =	sdelay $0x1  }
0xce: {  	v3 =	vperm.xlane v3, v2;
	v4 =	vadd.s32 v1, v4;
	_ =	sdelay $0x1  }
0xcf: {  	v3 =	vadd.s32 v1, v3;
	_ =	sdelay $0x1  }
0xd0: {  	s0 =	rddreg [dreg:$0x16]  }
0xd1: {  	[tilespmem:s0], [sflag:$0x1] =	stream.indirect_vreg.gather [hbm4b:s5+s3], $0x80, v4, vm0, $0xb8;
	[tilespmem:$0x1E200] =	vst v63  }
0xd2: {  	s9 =	rddreg [dreg:$0x17]  }
0xd3: {  	[tilespmem:s9], [sflag:$0x1] =	stream.indirect_vreg.gather [hbm4b:s5+s3], $0x80, v3, vm0, $0xb8;
	[tilespmem:$0x1E200] =	vst v63  }
0xd4: {  	v3 =	vld [tilespmem:$0x20];
	_ =	sdelay $0x4  }
0xd5: {  	v11 =	vshrl.u32 v3, $0x3  }
0xd6: {  	v4 =	vmul.u32 $0x18, v11  }
0xd7: {  	v3 =	vand.u32 $0x7, v3  }
0xd8: {  	v3 =	vor.u32 v3, v4  }
0xd9: {  	v4 =	vperm.xlane v3, v0;
	_ =	sdelay $0x1  }
0xda: {  	v3 =	vperm.xlane v3, v2;
	v4 =	vadd.s32 v1, v4;
	_ =	sdelay $0x1  }
0xdb: {  	v3 =	vadd.s32 v1, v3;
	_ =	sdelay $0x1  }
0xdc: {  	s0 =	rddreg [dreg:$0x18]  }
0xdd: {  	[tilespmem:s0], [sflag:$0x1] =	stream.indirect_vreg.gather [hbm4b:s5+s3], $0x80, v4, vm0, $0xb8;
	[tilespmem:$0x1E200] =	vst v63  }
0xde: {  	s9 =	rddreg [dreg:$0x19]  }
0xdf: {  	[tilespmem:s9], [sflag:$0x1] =	stream.indirect_vreg.gather [hbm4b:s5+s3], $0x80, v3, vm0, $0xb8;
	[tilespmem:$0x1E200] =	vst v63  }
0xe0: {  	v3 =	vld [tilespmem:$0x30];
	_ =	sdelay $0x4  }
0xe1: {  	v12 =	vshrl.u32 v3, $0x3  }
0xe2: {  	v4 =	vmul.u32 $0x18, v12  }
0xe3: {  	v3 =	vand.u32 $0x7, v3  }
0xe4: {  	v3 =	vor.u32 v3, v4  }
0xe5: {  	v4 =	vperm.xlane v3, v0;
	_ =	sdelay $0x1  }
0xe6: {  	v3 =	vperm.xlane v3, v2;
	v4 =	vadd.s32 v1, v4;
	_ =	sdelay $0x1  }
0xe7: {  	v3 =	vadd.s32 v1, v3;
	_ =	sdelay $0x1  }
0xe8: {  	s0 =	rddreg [dreg:$0x1a]  }
0xe9: {  	[tilespmem:s0], [sflag:$0x1] =	stream.indirect_vreg.gather [hbm4b:s5+s3], $0x80, v4, vm0, $0xb8;
	[tilespmem:$0x1E200] =	vst v63  }
0xea: {  	s9 =	rddreg [dreg:$0x1b]  }
0xeb: {  	[tilespmem:s9], [sflag:$0x1] =	stream.indirect_vreg.gather [hbm4b:s5+s3], $0x80, v3, vm0, $0xb8;
	[tilespmem:$0x1E200] =	vst v63  }
0xec: {  	v3 =	vld [tilespmem:$0x40];
	_ =	sdelay $0x4  }
0xed: {  	v13 =	vshrl.u32 v3, $0x3  }
0xee: {  	v4 =	vmul.u32 $0x18, v13  }
0xef: {  	v3 =	vand.u32 $0x7, v3  }
0xf0: {  	v3 =	vor.u32 v3, v4  }
0xf1: {  	v4 =	vperm.xlane v3, v0;
	_ =	sdelay $0x1  }
0xf2: {  	v3 =	vperm.xlane v3, v2;
	v4 =	vadd.s32 v1, v4;
	_ =	sdelay $0x1  }
0xf3: {  	v3 =	vadd.s32 v1, v3;
	_ =	sdelay $0x1  }
0xf4: {  	s0 =	rddreg [dreg:$0x1c]  }
0xf5: {  	[tilespmem:s0], [sflag:$0x1] =	stream.indirect_vreg.gather [hbm4b:s5+s3], $0x80, v4, vm0, $0xb8;
	[tilespmem:$0x1E200] =	vst v63  }
0xf6: {  	s9 =	rddreg [dreg:$0x1d]  }
0xf7: {  	[tilespmem:s9], [sflag:$0x1] =	stream.indirect_vreg.gather [hbm4b:s5+s3], $0x80, v3, vm0, $0xb8;
	[tilespmem:$0x1E200] =	vst v63  }
0xf8: {  	v3 =	vld [tilespmem:$0x0];
	_ =	sdelay $0x4  }
0xf9: {  	v14 =	vperm.xlane v3, v0;
	_ =	sdelay $0x1  }
0xfa: {  	v3 =	vperm.xlane v3, v2;
	v4 =	vadd.s32 v1, v14;
	_ =	sdelay $0x1  }
0xfb: {  	v3 =	vadd.s32 v1, v3;
	_ =	sdelay $0x1  }
0xfc: {  	s0 =	rddreg [dreg:$0x1e]  }
0xfd: {  	[tilespmem:s0], [sflag:$0x1] =	stream.indirect_vreg.gather [hbm4b:s4+s3], $0x80, v4, vm0, $0xb8;
	[tilespmem:$0x1E200] =	vst v63  }
0xfe: {  	s9 =	rddreg [dreg:$0x1f]  }
0xff: {  	[tilespmem:s9], [sflag:$0x1] =	stream.indirect_vreg.gather [hbm4b:s4+s3], $0x80, v3, vm0, $0xb8;
	[tilespmem:$0x1E200] =	vst v63  }
0x100: {  	v3 =	vld [tilespmem:$0x10];
	_ =	sdelay $0x4  }
0x101: {  	v15 =	vperm.xlane v3, v0;
	_ =	sdelay $0x1  }
0x102: {  	v3 =	vperm.xlane v3, v2;
	v4 =	vadd.s32 v1, v15;
	_ =	sdelay $0x1  }
0x103: {  	s0 =	sld [smem:$0x7B2];
	v3 =	vadd.s32 v1, v3;
	_ =	sdelay $0x1  }
0x104: {  	s9 =	sld [smem:$0x7B3]  }
0x105: {  	[tilespmem:s0], [sflag:$0x1] =	stream.indirect_vreg.gather [hbm4b:s4+s3], $0x80, v4, vm0, $0xb8;
	[tilespmem:$0x1E200] =	vst v63  }
0x106: {  	_ = 	snop  }
0x107: {  	[tilespmem:s9], [sflag:$0x1] =	stream.indirect_vreg.gather [hbm4b:s4+s3], $0x80, v3, vm0, $0xb8;
	[tilespmem:$0x1E200] =	vst v63  }
0x108: {  	v3 =	vld [tilespmem:$0x20];
	_ =	sdelay $0x4  }
0x109: {  	v16 =	vperm.xlane v3, v0;
	_ =	sdelay $0x1  }
0x10a: {  	v3 =	vperm.xlane v3, v2;
	v4 =	vadd.s32 v1, v16;
	_ =	sdelay $0x1  }
0x10b: {  	s0 =	sld [smem:$0x7B4];
	v3 =	vadd.s32 v1, v3;
	_ =	sdelay $0x1  }
0x10c: {  	s9 =	sld [smem:$0x7B5]  }
0x10d: {  	[tilespmem:s0], [sflag:$0x1] =	stream.indirect_vreg.gather [hbm4b:s4+s3], $0x80, v4, vm0, $0xb8;
	[tilespmem:$0x1E200] =	vst v63  }
0x10e: {  	_ = 	snop  }
0x10f: {  	[tilespmem:s9], [sflag:$0x1] =	stream.indirect_vreg.gather [hbm4b:s4+s3], $0x80, v3, vm0, $0xb8;
	[tilespmem:$0x1E200] =	vst v63  }
0x110: {  	v3 =	vld [tilespmem:$0x30];
	_ =	sdelay $0x4  }
0x111: {  	v17 =	vperm.xlane v3, v0;
	_ =	sdelay $0x1  }
0x112: {  	v3 =	vperm.xlane v3, v2;
	v4 =	vadd.s32 v1, v17;
	_ =	sdelay $0x1  }
0x113: {  	s0 =	sld [smem:$0x7B6];
	v3 =	vadd.s32 v1, v3;
	_ =	sdelay $0x1  }
0x114: {  	s9 =	sld [smem:$0x7B7]  }
0x115: {  	[tilespmem:s0], [sflag:$0x1] =	stream.indirect_vreg.gather [hbm4b:s4+s3], $0x80, v4, vm0, $0xb8;
	[tilespmem:$0x1E200] =	vst v63  }
0x116: {  	_ = 	snop  }
0x117: {  	[tilespmem:s9], [sflag:$0x1] =	stream.indirect_vreg.gather [hbm4b:s4+s3], $0x80, v3, vm0, $0xb8;
	[tilespmem:$0x1E200] =	vst v63  }
0x118: {  	v3 =	vld [tilespmem:$0x40];
	_ =	sdelay $0x4  }
0x119: {  	v18 =	vperm.xlane v3, v0;
	_ =	sdelay $0x1  }
0x11a: {  	v3 =	vperm.xlane v3, v2;
	v4 =	vadd.s32 v1, v18;
	_ =	sdelay $0x1  }
0x11b: {  	s0 =	sld [smem:$0x7B8];
	v3 =	vadd.s32 v1, v3;
	_ =	sdelay $0x1  }
0x11c: {  	s9 =	sld [smem:$0x7B9]  }
0x11d: {  	[tilespmem:s0], [sflag:$0x1] =	stream.indirect_vreg.gather [hbm4b:s4+s3], $0x80, v4, vm0, $0xb8;
	[tilespmem:$0x1E200] =	vst v63  }
0x11e: {  	_ = 	snop  }
0x11f: {  	[tilespmem:s9], [sflag:$0x1] =	stream.indirect_vreg.gather [hbm4b:s4+s3], $0x80, v3, vm0, $0xb8;
	[tilespmem:$0x1E200] =	vst v63  }
0x120: {  	v3 =	vld [tilespmem:$0x80];
	_ =	sdelay $0x4  }
0x121: {  	v19 =	vshrl.u32 v3, $0x3  }
0x122: {  	v4 =	vmul.u32 $0x18, v19  }
0x123: {  	v3 =	vand.u32 $0x7, v3  }
0x124: {  	v3 =	vor.u32 v3, v4  }
0x125: {  	v4 =	vperm.xlane v3, v0;
	_ =	sdelay $0x1  }
0x126: {  	v3 =	vperm.xlane v3, v2;
	v4 =	vadd.s32 v1, v4;
	_ =	sdelay $0x1  }
0x127: {  	s0 =	sld [smem:$0x7BA];
	v3 =	vadd.s32 v1, v3;
	_ =	sdelay $0x1  }
0x128: {  	s9 =	sld [smem:$0x7BB]  }
0x129: {  	[tilespmem:s0], [sflag:$0x1] =	stream.indirect_vreg.gather [hbm4b:s2+s3], $0x80, v4, vm0, $0xb8;
	[tilespmem:$0x1E200] =	vst v63  }
0x12a: {  	_ = 	snop  }
0x12b: {  	[tilespmem:s9], [sflag:$0x1] =	stream.indirect_vreg.gather [hbm4b:s2+s3], $0x80, v3, vm0, $0xb8;
	[tilespmem:$0x1E200] =	vst v63  }
0x12c: {  	v3 =	vld [tilespmem:$0x90];
	_ =	sdelay $0x4  }
0x12d: {  	v20 =	vshrl.u32 v3, $0x3  }
0x12e: {  	v4 =	vmul.u32 $0x18, v20  }
0x12f: {  	v3 =	vand.u32 $0x7, v3  }
0x130: {  	v3 =	vor.u32 v3, v4  }
0x131: {  	v4 =	vperm.xlane v3, v0;
	_ =	sdelay $0x1  }
0x132: {  	v3 =	vperm.xlane v3, v2;
	v4 =	vadd.s32 v1, v4;
	_ =	sdelay $0x1  }
0x133: {  	s0 =	sld [smem:$0x7BC];
	v3 =	vadd.s32 v1, v3;
	_ =	sdelay $0x1  }
0x134: {  	s9 =	sld [smem:$0x7BD]  }
0x135: {  	[tilespmem:s0], [sflag:$0x1] =	stream.indirect_vreg.gather [hbm4b:s2+s3], $0x80, v4, vm0, $0xb8;
	[tilespmem:$0x1E200] =	vst v63  }
0x136: {  	_ = 	snop  }
0x137: {  	[tilespmem:s9], [sflag:$0x1] =	stream.indirect_vreg.gather [hbm4b:s2+s3], $0x80, v3, vm0, $0xb8;
	[tilespmem:$0x1E200] =	vst v63  }
0x138: {  	v3 =	vld [tilespmem:$0xA0];
	_ =	sdelay $0x4  }
0x139: {  	v21 =	vshrl.u32 v3, $0x3  }
0x13a: {  	v4 =	vmul.u32 $0x18, v21  }
0x13b: {  	v3 =	vand.u32 $0x7, v3  }
0x13c: {  	v3 =	vor.u32 v3, v4  }
0x13d: {  	v4 =	vperm.xlane v3, v0;
	_ =	sdelay $0x1  }
0x13e: {  	v3 =	vperm.xlane v3, v2;
	v4 =	vadd.s32 v1, v4;
	_ =	sdelay $0x1  }
0x13f: {  	s0 =	sld [smem:$0x7BE];
	v3 =	vadd.s32 v1, v3;
	_ =	sdelay $0x1  }
0x140: {  	s9 =	sld [smem:$0x7BF]  }
0x141: {  	[tilespmem:s0], [sflag:$0x1] =	stream.indirect_vreg.gather [hbm4b:s2+s3], $0x80, v4, vm0, $0xb8;
	[tilespmem:$0x1E200] =	vst v63  }
0x142: {  	_ = 	snop  }
0x143: {  	[tilespmem:s9], [sflag:$0x1] =	stream.indirect_vreg.gather [hbm4b:s2+s3], $0x80, v3, vm0, $0xb8;
	[tilespmem:$0x1E200] =	vst v63  }
0x144: {  	v3 =	vld [tilespmem:$0xB0];
	_ =	sdelay $0x4  }
0x145: {  	v22 =	vshrl.u32 v3, $0x3  }
0x146: {  	v4 =	vmul.u32 $0x18, v22  }
0x147: {  	v3 =	vand.u32 $0x7, v3  }
0x148: {  	v3 =	vor.u32 v3, v4  }
0x149: {  	v4 =	vperm.xlane v3, v0;
	_ =	sdelay $0x1  }
0x14a: {  	v3 =	vperm.xlane v3, v2;
	v4 =	vadd.s32 v1, v4;
	_ =	sdelay $0x1  }
0x14b: {  	s0 =	sld [smem:$0x7C0];
	v3 =	vadd.s32 v1, v3;
	_ =	sdelay $0x1  }
0x14c: {  	s9 =	sld [smem:$0x7C1]  }
0x14d: {  	[tilespmem:s0], [sflag:$0x1] =	stream.indirect_vreg.gather [hbm4b:s2+s3], $0x80, v4, vm0, $0xb8;
	[tilespmem:$0x1E200] =	vst v63  }
0x14e: {  	_ = 	snop  }
0x14f: {  	[tilespmem:s9], [sflag:$0x1] =	stream.indirect_vreg.gather [hbm4b:s2+s3], $0x80, v3, vm0, $0xb8;
	[tilespmem:$0x1E200] =	vst v63  }
0x150: {  	v3 =	vld [tilespmem:$0xC0];
	_ =	sdelay $0x4  }
0x151: {  	v23 =	vshrl.u32 v3, $0x3  }
0x152: {  	v4 =	vmul.u32 $0x18, v23  }
0x153: {  	v3 =	vand.u32 $0x7, v3  }
0x154: {  	v3 =	vor.u32 v3, v4  }
0x155: {  	v4 =	vperm.xlane v3, v0;
	_ =	sdelay $0x1  }
0x156: {  	v3 =	vperm.xlane v3, v2;
	v4 =	vadd.s32 v1, v4;
	_ =	sdelay $0x1  }
0x157: {  	s0 =	sld [smem:$0x7C2];
	v3 =	vadd.s32 v1, v3;
	_ =	sdelay $0x1  }
0x158: {  	s9 =	sld [smem:$0x7C3]  }
0x159: {  	[tilespmem:s0], [sflag:$0x1] =	stream.indirect_vreg.gather [hbm4b:s2+s3], $0x80, v4, vm0, $0xb8;
	[tilespmem:$0x1E200] =	vst v63  }
0x15a: {  	_ = 	snop  }
0x15b: {  	[tilespmem:s9], [sflag:$0x1] =	stream.indirect_vreg.gather [hbm4b:s2+s3], $0x80, v3, vm0, $0xb8;
	[tilespmem:$0x1E200] =	vst v63  }
0x15c: {  	v3 =	vld [tilespmem:$0x80];
	_ =	sdelay $0x4  }
0x15d: {  	v24 =	vshrl.u32 v3, $0x3  }
0x15e: {  	v4 =	vmul.u32 $0x18, v24  }
0x15f: {  	v3 =	vand.u32 $0x7, v3  }
0x160: {  	v3 =	vor.u32 v3, v4  }
0x161: {  	v4 =	vperm.xlane v3, v0;
	_ =	sdelay $0x1  }
0x162: {  	v3 =	vperm.xlane v3, v2;
	v4 =	vadd.s32 v1, v4;
	_ =	sdelay $0x1  }
0x163: {  	s0 =	sld [smem:$0x7C4];
	v3 =	vadd.s32 v1, v3;
	_ =	sdelay $0x1  }
0x164: {  	s9 =	sld [smem:$0x7C5]  }
0x165: {  	[tilespmem:s0], [sflag:$0x1] =	stream.indirect_vreg.gather [hbm4b:s5+s3], $0x80, v4, vm0, $0xb8;
	[tilespmem:$0x1E200] =	vst v63  }
0x166: {  	_ = 	snop  }
0x167: {  	[tilespmem:s9], [sflag:$0x1] =	stream.indirect_vreg.gather [hbm4b:s5+s3], $0x80, v3, vm0, $0xb8;
	[tilespmem:$0x1E200] =	vst v63  }
0x168: {  	v3 =	vld [tilespmem:$0x90];
	_ =	sdelay $0x4  }
0x169: {  	v25 =	vshrl.u32 v3, $0x3  }
0x16a: {  	v4 =	vmul.u32 $0x18, v25  }
0x16b: {  	v3 =	vand.u32 $0x7, v3  }
0x16c: {  	v3 =	vor.u32 v3, v4  }
0x16d: {  	v4 =	vperm.xlane v3, v0;
	_ =	sdelay $0x1  }
0x16e: {  	v3 =	vperm.xlane v3, v2;
	v4 =	vadd.s32 v1, v4;
	_ =	sdelay $0x1  }
0x16f: {  	s0 =	sld [smem:$0x7C6];
	v3 =	vadd.s32 v1, v3;
	_ =	sdelay $0x1  }
0x170: {  	s9 =	sld [smem:$0x7C7]  }
0x171: {  	[tilespmem:s0], [sflag:$0x1] =	stream.indirect_vreg.gather [hbm4b:s5+s3], $0x80, v4, vm0, $0xb8;
	[tilespmem:$0x1E200] =	vst v63  }
0x172: {  	_ = 	snop  }
0x173: {  	[tilespmem:s9], [sflag:$0x1] =	stream.indirect_vreg.gather [hbm4b:s5+s3], $0x80, v3, vm0, $0xb8;
	[tilespmem:$0x1E200] =	vst v63  }
0x174: {  	v3 =	vld [tilespmem:$0xA0];
	_ =	sdelay $0x4  }
0x175: {  	v26 =	vshrl.u32 v3, $0x3  }
0x176: {  	v4 =	vmul.u32 $0x18, v26  }
0x177: {  	v3 =	vand.u32 $0x7, v3  }
0x178: {  	v3 =	vor.u32 v3, v4  }
0x179: {  	v4 =	vperm.xlane v3, v0;
	_ =	sdelay $0x1  }
0x17a: {  	v3 =	vperm.xlane v3, v2;
	v4 =	vadd.s32 v1, v4;
	_ =	sdelay $0x1  }
0x17b: {  	s0 =	sld [smem:$0x7C8];
	v3 =	vadd.s32 v1, v3;
	_ =	sdelay $0x1  }
0x17c: {  	s9 =	sld [smem:$0x7C9]  }
0x17d: {  	[tilespmem:s0], [sflag:$0x1] =	stream.indirect_vreg.gather [hbm4b:s5+s3], $0x80, v4, vm0, $0xb8;
	[tilespmem:$0x1E200] =	vst v63  }
0x17e: {  	_ = 	snop  }
0x17f: {  	[tilespmem:s9], [sflag:$0x1] =	stream.indirect_vreg.gather [hbm4b:s5+s3], $0x80, v3, vm0, $0xb8;
	[tilespmem:$0x1E200] =	vst v63  }
0x180: {  	v3 =	vld [tilespmem:$0xB0];
	_ =	sdelay $0x4  }
0x181: {  	v27 =	vshrl.u32 v3, $0x3  }
0x182: {  	v4 =	vmul.u32 $0x18, v27  }
0x183: {  	v3 =	vand.u32 $0x7, v3  }
0x184: {  	v3 =	vor.u32 v3, v4  }
0x185: {  	v4 =	vperm.xlane v3, v0;
	_ =	sdelay $0x1  }
0x186: {  	v3 =	vperm.xlane v3, v2;
	v4 =	vadd.s32 v1, v4;
	_ =	sdelay $0x1  }
0x187: {  	s0 =	sld [smem:$0x7CA];
	v3 =	vadd.s32 v1, v3;
	_ =	sdelay $0x1  }
0x188: {  	s9 =	sld [smem:$0x7CB]  }
0x189: {  	[tilespmem:s0], [sflag:$0x1] =	stream.indirect_vreg.gather [hbm4b:s5+s3], $0x80, v4, vm0, $0xb8;
	[tilespmem:$0x1E200] =	vst v63  }
0x18a: {  	_ = 	snop  }
0x18b: {  	[tilespmem:s9], [sflag:$0x1] =	stream.indirect_vreg.gather [hbm4b:s5+s3], $0x80, v3, vm0, $0xb8;
	[tilespmem:$0x1E200] =	vst v63  }
0x18c: {  	v3 =	vld [tilespmem:$0xC0];
	_ =	sdelay $0x4  }
0x18d: {  	v28 =	vshrl.u32 v3, $0x3  }
0x18e: {  	v4 =	vmul.u32 $0x18, v28  }
0x18f: {  	v3 =	vand.u32 $0x7, v3  }
0x190: {  	v3 =	vor.u32 v3, v4  }
0x191: {  	v4 =	vperm.xlane v3, v0;
	_ =	sdelay $0x1  }
0x192: {  	v3 =	vperm.xlane v3, v2;
	v4 =	vadd.s32 v1, v4;
	_ =	sdelay $0x1  }
0x193: {  	s0 =	sld [smem:$0x7CC];
	v3 =	vadd.s32 v1, v3;
	_ =	sdelay $0x1  }
0x194: {  	s9 =	sld [smem:$0x7CD]  }
0x195: {  	[tilespmem:s0], [sflag:$0x1] =	stream.indirect_vreg.gather [hbm4b:s5+s3], $0x80, v4, vm0, $0xb8;
	[tilespmem:$0x1E200] =	vst v63  }
0x196: {  	_ = 	snop  }
0x197: {  	[tilespmem:s9], [sflag:$0x1] =	stream.indirect_vreg.gather [hbm4b:s5+s3], $0x80, v3, vm0, $0xb8;
	[tilespmem:$0x1E200] =	vst v63  }
0x198: {  	v3 =	vld [tilespmem:$0x80];
	_ =	sdelay $0x4  }
0x199: {  	v29 =	vperm.xlane v3, v0;
	_ =	sdelay $0x1  }
0x19a: {  	v3 =	vperm.xlane v3, v2;
	v4 =	vadd.s32 v1, v29;
	_ =	sdelay $0x1  }
0x19b: {  	s0 =	sld [smem:$0x7CE];
	v3 =	vadd.s32 v1, v3;
	_ =	sdelay $0x1  }
0x19c: {  	s9 =	sld [smem:$0x7CF]  }
0x19d: {  	[tilespmem:s0], [sflag:$0x1] =	stream.indirect_vreg.gather [hbm4b:s4+s3], $0x80, v4, vm0, $0xb8;
	[tilespmem:$0x1E200] =	vst v63  }
0x19e: {  	_ = 	snop  }
0x19f: {  	[tilespmem:s9], [sflag:$0x1] =	stream.indirect_vreg.gather [hbm4b:s4+s3], $0x80, v3, vm0, $0xb8;
	[tilespmem:$0x1E200] =	vst v63  }
0x1a0: {  	v3 =	vld [tilespmem:$0x90];
	_ =	sdelay $0x4  }
0x1a1: {  	v30 =	vperm.xlane v3, v0;
	_ =	sdelay $0x1  }
0x1a2: {  	v3 =	vperm.xlane v3, v2;
	v4 =	vadd.s32 v1, v30;
	_ =	sdelay $0x1  }
0x1a3: {  	s0 =	sld [smem:$0x7D0];
	v3 =	vadd.s32 v1, v3;
	_ =	sdelay $0x1  }
0x1a4: {  	s9 =	sld [smem:$0x7D1]  }
0x1a5: {  	[tilespmem:s0], [sflag:$0x1] =	stream.indirect_vreg.gather [hbm4b:s4+s3], $0x80, v4, vm0, $0xb8;
	[tilespmem:$0x1E200] =	vst v63  }
0x1a6: {  	_ = 	snop  }
0x1a7: {  	[tilespmem:s9], [sflag:$0x1] =	stream.indirect_vreg.gather [hbm4b:s4+s3], $0x80, v3, vm0, $0xb8;
	[tilespmem:$0x1E200] =	vst v63  }
0x1a8: {  	v3 =	vld [tilespmem:$0xA0];
	_ =	sdelay $0x4  }
0x1a9: {  	v31 =	vperm.xlane v3, v0;
	_ =	sdelay $0x1  }
0x1aa: {  	v3 =	vperm.xlane v3, v2;
	v4 =	vadd.s32 v1, v31;
	_ =	sdelay $0x1  }
0x1ab: {  	s0 =	sld [smem:$0x7D2];
	v3 =	vadd.s32 v1, v3;
	_ =	sdelay $0x1  }
0x1ac: {  	s9 =	sld [smem:$0x7D3]  }
0x1ad: {  	[tilespmem:s0], [sflag:$0x1] =	stream.indirect_vreg.gather [hbm4b:s4+s3], $0x80, v4, vm0, $0xb8;
	[tilespmem:$0x1E200] =	vst v63  }
0x1ae: {  	_ = 	snop  }
0x1af: {  	[tilespmem:s9], [sflag:$0x1] =	stream.indirect_vreg.gather [hbm4b:s4+s3], $0x80, v3, vm0, $0xb8;
	[tilespmem:$0x1E200] =	vst v63  }
0x1b0: {  	v3 =	vld [tilespmem:$0xB0];
	_ =	sdelay $0x4  }
0x1b1: {  	v32 =	vperm.xlane v3, v0;
	_ =	sdelay $0x1  }
0x1b2: {  	v3 =	vperm.xlane v3, v2;
	v4 =	vadd.s32 v1, v32;
	_ =	sdelay $0x1  }
0x1b3: {  	s0 =	sld [smem:$0x7D4];
	v3 =	vadd.s32 v1, v3;
	_ =	sdelay $0x1  }
0x1b4: {  	s9 =	sld [smem:$0x7D5]  }
0x1b5: {  	[tilespmem:s0], [sflag:$0x1] =	stream.indirect_vreg.gather [hbm4b:s4+s3], $0x80, v4, vm0, $0xb8;
	[tilespmem:$0x1E200] =	vst v63  }
0x1b6: {  	_ = 	snop  }
0x1b7: {  	[tilespmem:s9], [sflag:$0x1] =	stream.indirect_vreg.gather [hbm4b:s4+s3], $0x80, v3, vm0, $0xb8;
	[tilespmem:$0x1E200] =	vst v63  }
0x1b8: {  	v3 =	vld [tilespmem:$0xC0];
	_ =	sdelay $0x4  }
0x1b9: {  	v33 =	vperm.xlane v3, v0;
	_ =	sdelay $0x1  }
0x1ba: {  	v3 =	vperm.xlane v3, v2;
	v4 =	vadd.s32 v1, v33;
	_ =	sdelay $0x1  }
0x1bb: {  	s0 =	sld [smem:$0x7D6];
	v3 =	vadd.s32 v1, v3;
	_ =	sdelay $0x1  }
0x1bc: {  	s9 =	sld [smem:$0x7D7]  }
0x1bd: {  	[tilespmem:s0], [sflag:$0x1] =	stream.indirect_vreg.gather [hbm4b:s4+s3], $0x80, v4, vm0, $0xb8;
	[tilespmem:$0x1E200] =	vst v63  }
0x1be: {  	_ = 	snop  }
0x1bf: {  	[tilespmem:s9], [sflag:$0x1] =	stream.indirect_vreg.gather [hbm4b:s4+s3], $0x80, v3, vm0, $0xb8;
	[tilespmem:$0x1E200] =	vst v63  }
0x1c0: {  	v3 =	vld [tilespmem:$0x100];
	_ =	sdelay $0x4  }
0x1c1: {  	v34 =	vshrl.u32 v3, $0x3  }
0x1c2: {  	v4 =	vmul.u32 $0x18, v34  }
0x1c3: {  	v3 =	vand.u32 $0x7, v3  }
0x1c4: {  	v3 =	vor.u32 v3, v4  }
0x1c5: {  	v4 =	vperm.xlane v3, v0;
	_ =	sdelay $0x1  }
0x1c6: {  	v3 =	vperm.xlane v3, v2;
	v4 =	vadd.s32 v1, v4;
	_ =	sdelay $0x1  }
0x1c7: {  	s0 =	sld [smem:$0x7D8];
	v3 =	vadd.s32 v1, v3;
	_ =	sdelay $0x1  }
0x1c8: {  	s9 =	sld [smem:$0x7D9]  }
0x1c9: {  	[tilespmem:s0], [sflag:$0x1] =	stream.indirect_vreg.gather [hbm4b:s2+s3], $0x80, v4, vm0, $0xb8;
	[tilespmem:$0x1E200] =	vst v63  }
0x1ca: {  	_ = 	snop  }
0x1cb: {  	[tilespmem:s9], [sflag:$0x1] =	stream.indirect_vreg.gather [hbm4b:s2+s3], $0x80, v3, vm0, $0xb8;
	[tilespmem:$0x1E200] =	vst v63  }
0x1cc: {  	v3 =	vld [tilespmem:$0x110];
	_ =	sdelay $0x4  }
0x1cd: {  	v35 =	vshrl.u32 v3, $0x3  }
0x1ce: {  	v4 =	vmul.u32 $0x18, v35  }
0x1cf: {  	v3 =	vand.u32 $0x7, v3  }
0x1d0: {  	v3 =	vor.u32 v3, v4  }
0x1d1: {  	v4 =	vperm.xlane v3, v0;
	_ =	sdelay $0x1  }
0x1d2: {  	v3 =	vperm.xlane v3, v2;
	v4 =	vadd.s32 v1, v4;
	_ =	sdelay $0x1  }
0x1d3: {  	s0 =	sld [smem:$0x7DA];
	v3 =	vadd.s32 v1, v3;
	_ =	sdelay $0x1  }
0x1d4: {  	s9 =	sld [smem:$0x7DB]  }
0x1d5: {  	[tilespmem:s0], [sflag:$0x1] =	stream.indirect_vreg.gather [hbm4b:s2+s3], $0x80, v4, vm0, $0xb8;
	[tilespmem:$0x1E200] =	vst v63  }
0x1d6: {  	_ = 	snop  }
0x1d7: {  	[tilespmem:s9], [sflag:$0x1] =	stream.indirect_vreg.gather [hbm4b:s2+s3], $0x80, v3, vm0, $0xb8;
	[tilespmem:$0x1E200] =	vst v63  }
0x1d8: {  	v3 =	vld [tilespmem:$0x120];
	_ =	sdelay $0x4  }
0x1d9: {  	v36 =	vshrl.u32 v3, $0x3  }
0x1da: {  	v4 =	vmul.u32 $0x18, v36  }
0x1db: {  	v3 =	vand.u32 $0x7, v3  }
0x1dc: {  	v3 =	vor.u32 v3, v4  }
0x1dd: {  	v4 =	vperm.xlane v3, v0;
	_ =	sdelay $0x1  }
0x1de: {  	v3 =	vperm.xlane v3, v2;
	v4 =	vadd.s32 v1, v4;
	_ =	sdelay $0x1  }
0x1df: {  	s0 =	sld [smem:$0x7DC];
	v3 =	vadd.s32 v1, v3;
	_ =	sdelay $0x1  }
0x1e0: {  	s9 =	sld [smem:$0x7DD]  }
0x1e1: {  	[tilespmem:s0], [sflag:$0x1] =	stream.indirect_vreg.gather [hbm4b:s2+s3], $0x80, v4, vm0, $0xb8;
	[tilespmem:$0x1E200] =	vst v63  }
0x1e2: {  	_ = 	snop  }
0x1e3: {  	[tilespmem:s9], [sflag:$0x1] =	stream.indirect_vreg.gather [hbm4b:s2+s3], $0x80, v3, vm0, $0xb8;
	[tilespmem:$0x1E200] =	vst v63  }
0x1e4: {  	v3 =	vld [tilespmem:$0x130];
	_ =	sdelay $0x4  }
0x1e5: {  	v37 =	vshrl.u32 v3, $0x3  }
0x1e6: {  	v4 =	vmul.u32 $0x18, v37  }
0x1e7: {  	v3 =	vand.u32 $0x7, v3  }
0x1e8: {  	v3 =	vor.u32 v3, v4  }
0x1e9: {  	v4 =	vperm.xlane v3, v0;
	_ =	sdelay $0x1  }
0x1ea: {  	v3 =	vperm.xlane v3, v2;
	v4 =	vadd.s32 v1, v4;
	_ =	sdelay $0x1  }
0x1eb: {  	s0 =	sld [smem:$0x7DE];
	v3 =	vadd.s32 v1, v3;
	_ =	sdelay $0x1  }
0x1ec: {  	s9 =	sld [smem:$0x7DF]  }
0x1ed: {  	[tilespmem:s0], [sflag:$0x1] =	stream.indirect_vreg.gather [hbm4b:s2+s3], $0x80, v4, vm0, $0xb8;
	[tilespmem:$0x1E200] =	vst v63  }
0x1ee: {  	_ = 	snop  }
0x1ef: {  	[tilespmem:s9], [sflag:$0x1] =	stream.indirect_vreg.gather [hbm4b:s2+s3], $0x80, v3, vm0, $0xb8;
	[tilespmem:$0x1E200] =	vst v63  }
0x1f0: {  	v3 =	vld [tilespmem:$0x140];
	_ =	sdelay $0x4  }
0x1f1: {  	v38 =	vshrl.u32 v3, $0x3  }
0x1f2: {  	v4 =	vmul.u32 $0x18, v38  }
0x1f3: {  	v3 =	vand.u32 $0x7, v3  }
0x1f4: {  	v3 =	vor.u32 v3, v4  }
0x1f5: {  	v4 =	vperm.xlane v3, v0;
	_ =	sdelay $0x1  }
0x1f6: {  	v3 =	vperm.xlane v3, v2;
	v4 =	vadd.s32 v1, v4;
	_ =	sdelay $0x1  }
0x1f7: {  	s0 =	sld [smem:$0x7E0];
	v3 =	vadd.s32 v1, v3;
	_ =	sdelay $0x1  }
0x1f8: {  	s9 =	sld [smem:$0x7E1]  }
0x1f9: {  	[tilespmem:s0], [sflag:$0x1] =	stream.indirect_vreg.gather [hbm4b:s2+s3], $0x80, v4, vm0, $0xb8;
	[tilespmem:$0x1E200] =	vst v63  }
0x1fa: {  	_ = 	snop  }
0x1fb: {  	[tilespmem:s9], [sflag:$0x1] =	stream.indirect_vreg.gather [hbm4b:s2+s3], $0x80, v3, vm0, $0xb8;
	[tilespmem:$0x1E200] =	vst v63  }
0x1fc: {  	v3 =	vld [tilespmem:$0x100];
	_ =	sdelay $0x4  }
0x1fd: {  	v39 =	vshrl.u32 v3, $0x3  }
0x1fe: {  	v4 =	vmul.u32 $0x18, v39  }
0x1ff: {  	v3 =	vand.u32 $0x7, v3  }
0x200: {  	v3 =	vor.u32 v3, v4  }
0x201: {  	v4 =	vperm.xlane v3, v0;
	_ =	sdelay $0x1  }
0x202: {  	v3 =	vperm.xlane v3, v2;
	v4 =	vadd.s32 v1, v4;
	_ =	sdelay $0x1  }
0x203: {  	s0 =	sld [smem:$0x7E2];
	v3 =	vadd.s32 v1, v3;
	_ =	sdelay $0x1  }
0x204: {  	s9 =	sld [smem:$0x7E3]  }
0x205: {  	[tilespmem:s0], [sflag:$0x1] =	stream.indirect_vreg.gather [hbm4b:s5+s3], $0x80, v4, vm0, $0xb8;
	[tilespmem:$0x1E200] =	vst v63  }
0x206: {  	_ = 	snop  }
0x207: {  	[tilespmem:s9], [sflag:$0x1] =	stream.indirect_vreg.gather [hbm4b:s5+s3], $0x80, v3, vm0, $0xb8;
	[tilespmem:$0x1E200] =	vst v63  }
0x208: {  	v3 =	vld [tilespmem:$0x110];
	_ =	sdelay $0x4  }
0x209: {  	v40 =	vshrl.u32 v3, $0x3  }
0x20a: {  	v4 =	vmul.u32 $0x18, v40  }
0x20b: {  	v3 =	vand.u32 $0x7, v3  }
0x20c: {  	v3 =	vor.u32 v3, v4  }
0x20d: {  	v4 =	vperm.xlane v3, v0;
	_ =	sdelay $0x1  }
0x20e: {  	v3 =	vperm.xlane v3, v2;
	v4 =	vadd.s32 v1, v4;
	_ =	sdelay $0x1  }
0x20f: {  	s0 =	sld [smem:$0x7E4];
	v3 =	vadd.s32 v1, v3;
	_ =	sdelay $0x1  }
0x210: {  	s9 =	sld [smem:$0x7E5]  }
0x211: {  	[tilespmem:s0], [sflag:$0x1] =	stream.indirect_vreg.gather [hbm4b:s5+s3], $0x80, v4, vm0, $0xb8;
	[tilespmem:$0x1E200] =	vst v63  }
0x212: {  	_ = 	snop  }
0x213: {  	[tilespmem:s9], [sflag:$0x1] =	stream.indirect_vreg.gather [hbm4b:s5+s3], $0x80, v3, vm0, $0xb8;
	[tilespmem:$0x1E200] =	vst v63  }
0x214: {  	v3 =	vld [tilespmem:$0x120];
	_ =	sdelay $0x4  }
0x215: {  	v41 =	vshrl.u32 v3, $0x3  }
0x216: {  	v4 =	vmul.u32 $0x18, v41  }
0x217: {  	v3 =	vand.u32 $0x7, v3  }
0x218: {  	v3 =	vor.u32 v3, v4  }
0x219: {  	v4 =	vperm.xlane v3, v0;
	_ =	sdelay $0x1  }
0x21a: {  	v3 =	vperm.xlane v3, v2;
	v4 =	vadd.s32 v1, v4;
	_ =	sdelay $0x1  }
0x21b: {  	s0 =	sld [smem:$0x7E6];
	v3 =	vadd.s32 v1, v3;
	_ =	sdelay $0x1  }
0x21c: {  	s9 =	sld [smem:$0x7E7]  }
0x21d: {  	[tilespmem:s0], [sflag:$0x1] =	stream.indirect_vreg.gather [hbm4b:s5+s3], $0x80, v4, vm0, $0xb8;
	[tilespmem:$0x1E200] =	vst v63  }
0x21e: {  	_ = 	snop  }
0x21f: {  	[tilespmem:s9], [sflag:$0x1] =	stream.indirect_vreg.gather [hbm4b:s5+s3], $0x80, v3, vm0, $0xb8;
	[tilespmem:$0x1E200] =	vst v63  }
0x220: {  	v3 =	vld [tilespmem:$0x130];
	_ =	sdelay $0x4  }
0x221: {  	v42 =	vshrl.u32 v3, $0x3  }
0x222: {  	v4 =	vmul.u32 $0x18, v42  }
0x223: {  	v3 =	vand.u32 $0x7, v3  }
0x224: {  	v3 =	vor.u32 v3, v4  }
0x225: {  	v4 =	vperm.xlane v3, v0;
	_ =	sdelay $0x1  }
0x226: {  	v3 =	vperm.xlane v3, v2;
	v4 =	vadd.s32 v1, v4;
	_ =	sdelay $0x1  }
0x227: {  	s0 =	sld [smem:$0x7E8];
	v3 =	vadd.s32 v1, v3;
	_ =	sdelay $0x1  }
0x228: {  	s9 =	sld [smem:$0x7E9]  }
0x229: {  	[tilespmem:s0], [sflag:$0x1] =	stream.indirect_vreg.gather [hbm4b:s5+s3], $0x80, v4, vm0, $0xb8;
	[tilespmem:$0x1E200] =	vst v63  }
0x22a: {  	_ = 	snop  }
0x22b: {  	[tilespmem:s9], [sflag:$0x1] =	stream.indirect_vreg.gather [hbm4b:s5+s3], $0x80, v3, vm0, $0xb8;
	[tilespmem:$0x1E200] =	vst v63  }
0x22c: {  	v3 =	vld [tilespmem:$0x140];
	_ =	sdelay $0x4  }
0x22d: {  	v43 =	vshrl.u32 v3, $0x3  }
0x22e: {  	v4 =	vmul.u32 $0x18, v43  }
0x22f: {  	v3 =	vand.u32 $0x7, v3  }
0x230: {  	v3 =	vor.u32 v3, v4  }
0x231: {  	v4 =	vperm.xlane v3, v0;
	_ =	sdelay $0x1  }
0x232: {  	v3 =	vperm.xlane v3, v2;
	v4 =	vadd.s32 v1, v4;
	_ =	sdelay $0x1  }
0x233: {  	s0 =	sld [smem:$0x7EA];
	v3 =	vadd.s32 v1, v3;
	_ =	sdelay $0x1  }
0x234: {  	s9 =	sld [smem:$0x7EB]  }
0x235: {  	[tilespmem:s0], [sflag:$0x1] =	stream.indirect_vreg.gather [hbm4b:s5+s3], $0x80, v4, vm0, $0xb8;
	[tilespmem:$0x1E200] =	vst v63  }
0x236: {  	_ = 	snop  }
0x237: {  	[tilespmem:s9], [sflag:$0x1] =	stream.indirect_vreg.gather [hbm4b:s5+s3], $0x80, v3, vm0, $0xb8;
	[tilespmem:$0x1E200] =	vst v63  }
0x238: {  	v3 =	vld [tilespmem:$0x100];
	_ =	sdelay $0x4  }
0x239: {  	v44 =	vperm.xlane v3, v0;
	_ =	sdelay $0x1  }
0x23a: {  	v3 =	vperm.xlane v3, v2;
	v4 =	vadd.s32 v1, v44;
	_ =	sdelay $0x1  }
0x23b: {  	s0 =	sld [smem:$0x7EC];
	v3 =	vadd.s32 v1, v3;
	_ =	sdelay $0x1  }
0x23c: {  	s9 =	sld [smem:$0x7ED]  }
0x23d: {  	[tilespmem:s0], [sflag:$0x1] =	stream.indirect_vreg.gather [hbm4b:s4+s3], $0x80, v4, vm0, $0xb8;
	[tilespmem:$0x1E200] =	vst v63  }
0x23e: {  	_ = 	snop  }
0x23f: {  	[tilespmem:s9], [sflag:$0x1] =	stream.indirect_vreg.gather [hbm4b:s4+s3], $0x80, v3, vm0, $0xb8;
	[tilespmem:$0x1E200] =	vst v63  }
0x240: {  	v3 =	vld [tilespmem:$0x110];
	_ =	sdelay $0x4  }
0x241: {  	v45 =	vperm.xlane v3, v0;
	_ =	sdelay $0x1  }
0x242: {  	v3 =	vperm.xlane v3, v2;
	v4 =	vadd.s32 v1, v45;
	_ =	sdelay $0x1  }
0x243: {  	s0 =	sld [smem:$0x7EE];
	v3 =	vadd.s32 v1, v3;
	_ =	sdelay $0x1  }
0x244: {  	s9 =	sld [smem:$0x7EF]  }
0x245: {  	[tilespmem:s0], [sflag:$0x1] =	stream.indirect_vreg.gather [hbm4b:s4+s3], $0x80, v4, vm0, $0xb8;
	[tilespmem:$0x1E200] =	vst v63  }
0x246: {  	_ = 	snop  }
0x247: {  	[tilespmem:s9], [sflag:$0x1] =	stream.indirect_vreg.gather [hbm4b:s4+s3], $0x80, v3, vm0, $0xb8;
	[tilespmem:$0x1E200] =	vst v63  }
0x248: {  	v3 =	vld [tilespmem:$0x120];
	_ =	sdelay $0x4  }
0x249: {  	v46 =	vperm.xlane v3, v0;
	_ =	sdelay $0x1  }
0x24a: {  	v3 =	vperm.xlane v3, v2;
	v4 =	vadd.s32 v1, v46;
	_ =	sdelay $0x1  }
0x24b: {  	s0 =	sld [smem:$0x7F0];
	v3 =	vadd.s32 v1, v3;
	_ =	sdelay $0x1  }
0x24c: {  	s9 =	sld [smem:$0x7F1]  }
0x24d: {  	[tilespmem:s0], [sflag:$0x1] =	stream.indirect_vreg.gather [hbm4b:s4+s3], $0x80, v4, vm0, $0xb8;
	[tilespmem:$0x1E200] =	vst v63  }
0x24e: {  	_ = 	snop  }
0x24f: {  	[tilespmem:s9], [sflag:$0x1] =	stream.indirect_vreg.gather [hbm4b:s4+s3], $0x80, v3, vm0, $0xb8;
	[tilespmem:$0x1E200] =	vst v63  }
0x250: {  	v3 =	vld [tilespmem:$0x130];
	_ =	sdelay $0x4  }
0x251: {  	v47 =	vperm.xlane v3, v0;
	_ =	sdelay $0x1  }
0x252: {  	v3 =	vperm.xlane v3, v2;
	v4 =	vadd.s32 v1, v47;
	_ =	sdelay $0x1  }
0x253: {  	s0 =	sld [smem:$0x7F2];
	v3 =	vadd.s32 v1, v3;
	_ =	sdelay $0x1  }
0x254: {  	s9 =	sld [smem:$0x7F3]  }
0x255: {  	[tilespmem:s0], [sflag:$0x1] =	stream.indirect_vreg.gather [hbm4b:s4+s3], $0x80, v4, vm0, $0xb8;
	[tilespmem:$0x1E200] =	vst v63  }
0x256: {  	_ = 	snop  }
0x257: {  	[tilespmem:s9], [sflag:$0x1] =	stream.indirect_vreg.gather [hbm4b:s4+s3], $0x80, v3, vm0, $0xb8;
	[tilespmem:$0x1E200] =	vst v63  }
0x258: {  	v3 =	vld [tilespmem:$0x140];
	_ =	sdelay $0x4  }
0x259: {  	v48 =	vperm.xlane v3, v0;
	_ =	sdelay $0x1  }
0x25a: {  	v3 =	vperm.xlane v3, v2;
	v4 =	vadd.s32 v1, v48;
	_ =	sdelay $0x1  }
0x25b: {  	s0 =	sld [smem:$0x7F4];
	v3 =	vadd.s32 v1, v3;
	_ =	sdelay $0x1  }
0x25c: {  	s9 =	sld [smem:$0x7F5]  }
0x25d: {  	[tilespmem:s0], [sflag:$0x1] =	stream.indirect_vreg.gather [hbm4b:s4+s3], $0x80, v4, vm0, $0xb8;
	[tilespmem:$0x1E200] =	vst v63  }
0x25e: {  	_ = 	snop  }
0x25f: {  	[tilespmem:s9], [sflag:$0x1] =	stream.indirect_vreg.gather [hbm4b:s4+s3], $0x80, v3, vm0, $0xb8;
	[tilespmem:$0x1E200] =	vst v63  }
0x260: {  	v3 =	vld [tilespmem:$0x180];
	_ =	sdelay $0x4  }
0x261: {  	v49 =	vshrl.u32 v3, $0x3  }
0x262: {  	v4 =	vmul.u32 $0x18, v49  }
0x263: {  	v3 =	vand.u32 $0x7, v3  }
0x264: {  	v3 =	vor.u32 v3, v4  }
0x265: {  	v4 =	vperm.xlane v3, v0;
	_ =	sdelay $0x1  }
0x266: {  	v3 =	vperm.xlane v3, v2;
	v4 =	vadd.s32 v1, v4;
	_ =	sdelay $0x1  }
0x267: {  	s0 =	sld [smem:$0x7F6];
	v3 =	vadd.s32 v1, v3;
	_ =	sdelay $0x1  }
0x268: {  	s9 =	sld [smem:$0x7F7]  }
0x269: {  	[tilespmem:s0], [sflag:$0x1] =	stream.indirect_vreg.gather [hbm4b:s2+s3], $0x80, v4, vm0, $0xb8;
	[tilespmem:$0x1E200] =	vst v63  }
0x26a: {  	_ = 	snop  }
0x26b: {  	[tilespmem:s9], [sflag:$0x1] =	stream.indirect_vreg.gather [hbm4b:s2+s3], $0x80, v3, vm0, $0xb8;
	[tilespmem:$0x1E200] =	vst v63  }
0x26c: {  	v3 =	vld [tilespmem:$0x190];
	_ =	sdelay $0x4  }
0x26d: {  	v50 =	vshrl.u32 v3, $0x3  }
0x26e: {  	v4 =	vmul.u32 $0x18, v50  }
0x26f: {  	v3 =	vand.u32 $0x7, v3  }
0x270: {  	v3 =	vor.u32 v3, v4  }
0x271: {  	v4 =	vperm.xlane v3, v0;
	_ =	sdelay $0x1  }
0x272: {  	v3 =	vperm.xlane v3, v2;
	v4 =	vadd.s32 v1, v4;
	_ =	sdelay $0x1  }
0x273: {  	s0 =	sld [smem:$0x7F8];
	v3 =	vadd.s32 v1, v3;
	_ =	sdelay $0x1  }
0x274: {  	s9 =	sld [smem:$0x7F9]  }
0x275: {  	[tilespmem:s0], [sflag:$0x1] =	stream.indirect_vreg.gather [hbm4b:s2+s3], $0x80, v4, vm0, $0xb8;
	[tilespmem:$0x1E200] =	vst v63  }
0x276: {  	_ = 	snop  }
0x277: {  	[tilespmem:s9], [sflag:$0x1] =	stream.indirect_vreg.gather [hbm4b:s2+s3], $0x80, v3, vm0, $0xb8;
	[tilespmem:$0x1E200] =	vst v63  }
0x278: {  	v3 =	vld [tilespmem:$0x1A0];
	_ =	sdelay $0x4  }
0x279: {  	v51 =	vshrl.u32 v3, $0x3  }
0x27a: {  	v4 =	vmul.u32 $0x18, v51  }
0x27b: {  	v3 =	vand.u32 $0x7, v3  }
0x27c: {  	v3 =	vor.u32 v3, v4  }
0x27d: {  	v4 =	vperm.xlane v3, v0;
	_ =	sdelay $0x1  }
0x27e: {  	v3 =	vperm.xlane v3, v2;
	v4 =	vadd.s32 v1, v4;
	_ =	sdelay $0x1  }
0x27f: {  	s0 =	sld [smem:$0x7FA];
	v3 =	vadd.s32 v1, v3;
	_ =	sdelay $0x1  }
0x280: {  	s9 =	sld [smem:$0x7FB]  }
0x281: {  	[tilespmem:s0], [sflag:$0x1] =	stream.indirect_vreg.gather [hbm4b:s2+s3], $0x80, v4, vm0, $0xb8;
	[tilespmem:$0x1E200] =	vst v63  }
0x282: {  	_ = 	snop  }
0x283: {  	[tilespmem:s9], [sflag:$0x1] =	stream.indirect_vreg.gather [hbm4b:s2+s3], $0x80, v3, vm0, $0xb8;
	[tilespmem:$0x1E200] =	vst v63  }
0x284: {  	v3 =	vld [tilespmem:$0x1B0];
	_ =	sdelay $0x4  }
0x285: {  	v52 =	vshrl.u32 v3, $0x3  }
0x286: {  	v4 =	vmul.u32 $0x18, v52  }
0x287: {  	v3 =	vand.u32 $0x7, v3  }
0x288: {  	v3 =	vor.u32 v3, v4  }
0x289: {  	v4 =	vperm.xlane v3, v0;
	_ =	sdelay $0x1  }
0x28a: {  	v3 =	vperm.xlane v3, v2;
	v4 =	vadd.s32 v1, v4;
	_ =	sdelay $0x1  }
0x28b: {  	s0 =	sld [smem:$0x7FC];
	v3 =	vadd.s32 v1, v3;
	_ =	sdelay $0x1  }
0x28c: {  	s9 =	sld [smem:$0x7FD]  }
0x28d: {  	[tilespmem:s0], [sflag:$0x1] =	stream.indirect_vreg.gather [hbm4b:s2+s3], $0x80, v4, vm0, $0xb8;
	[tilespmem:$0x1E200] =	vst v63  }
0x28e: {  	_ = 	snop  }
0x28f: {  	[tilespmem:s9], [sflag:$0x1] =	stream.indirect_vreg.gather [hbm4b:s2+s3], $0x80, v3, vm0, $0xb8;
	[tilespmem:$0x1E200] =	vst v63  }
0x290: {  	v3 =	vld [tilespmem:$0x1C0];
	_ =	sdelay $0x4  }
0x291: {  	v53 =	vshrl.u32 v3, $0x3  }
0x292: {  	v4 =	vmul.u32 $0x18, v53  }
0x293: {  	v3 =	vand.u32 $0x7, v3  }
0x294: {  	v3 =	vor.u32 v3, v4  }
0x295: {  	v4 =	vperm.xlane v3, v0;
	_ =	sdelay $0x1  }
0x296: {  	v3 =	vperm.xlane v3, v2;
	v4 =	vadd.s32 v1, v4;
	_ =	sdelay $0x1  }
0x297: {  	v3 =	vadd.s32 v1, v3;
	_ =	sdelay $0x1  }
0x298: {  	s9 =	simm.s32 $0x1CA00  }
0x299: {  	[tilespmem:s9], [sflag:$0x1] =	stream.indirect_vreg.gather [hbm4b:s2+s3], $0x80, v4, vm0, $0xb8;
	[tilespmem:$0x1E200] =	vst v63  }
0x29a: {  	_ = 	snop  }
0x29b: {  	[tilespmem:s10], [sflag:$0x1] =	stream.indirect_vreg.gather [hbm4b:s2+s3], $0x80, v3, vm0, $0xb8;
	[tilespmem:$0x1E200] =	vst v63  }
0x29c: {  	v3 =	vld [tilespmem:$0x180];
	_ =	sdelay $0x4  }
0x29d: {  	v54 =	vshrl.u32 v3, $0x3  }
0x29e: {  	v4 =	vmul.u32 $0x18, v54  }
0x29f: {  	v3 =	vand.u32 $0x7, v3  }
0x2a0: {  	v3 =	vor.u32 v3, v4  }
0x2a1: {  	v4 =	vperm.xlane v3, v0;
	_ =	sdelay $0x1  }
0x2a2: {  	v3 =	vperm.xlane v3, v2;
	v4 =	vadd.s32 v1, v4;
	_ =	sdelay $0x1  }
0x2a3: {  	v3 =	vadd.s32 v1, v3;
	_ =	sdelay $0x2  }
0x2a4: {  	[tilespmem:s11], [sflag:$0x1] =	stream.indirect_vreg.gather [hbm4b:s5+s3], $0x80, v4, vm0, $0xb8;
	[tilespmem:$0x1E200] =	vst v63  }
0x2a5: {  	_ = 	snop  }
0x2a6: {  	[tilespmem:s12], [sflag:$0x1] =	stream.indirect_vreg.gather [hbm4b:s5+s3], $0x80, v3, vm0, $0xb8;
	[tilespmem:$0x1E200] =	vst v63  }
0x2a7: {  	v3 =	vld [tilespmem:$0x190];
	_ =	sdelay $0x4  }
0x2a8: {  	v55 =	vshrl.u32 v3, $0x3  }
0x2a9: {  	v4 =	vmul.u32 $0x18, v55  }
0x2aa: {  	v3 =	vand.u32 $0x7, v3  }
0x2ab: {  	v3 =	vor.u32 v3, v4  }
0x2ac: {  	v4 =	vperm.xlane v3, v0;
	_ =	sdelay $0x1  }
0x2ad: {  	v3 =	vperm.xlane v3, v2;
	v4 =	vadd.s32 v1, v4;
	_ =	sdelay $0x1  }
0x2ae: {  	v3 =	vadd.s32 v1, v3;
	_ =	sdelay $0x2  }
0x2af: {  	[tilespmem:s13], [sflag:$0x1] =	stream.indirect_vreg.gather [hbm4b:s5+s3], $0x80, v4, vm0, $0xb8;
	[tilespmem:$0x1E200] =	vst v63  }
0x2b0: {  	_ = 	snop  }
0x2b1: {  	[tilespmem:s14], [sflag:$0x1] =	stream.indirect_vreg.gather [hbm4b:s5+s3], $0x80, v3, vm0, $0xb8;
	[tilespmem:$0x1E200] =	vst v63  }
0x2b2: {  	v3 =	vld [tilespmem:$0x1A0];
	_ =	sdelay $0x4  }
0x2b3: {  	v56 =	vshrl.u32 v3, $0x3  }
0x2b4: {  	v4 =	vmul.u32 $0x18, v56  }
0x2b5: {  	v3 =	vand.u32 $0x7, v3  }
0x2b6: {  	v3 =	vor.u32 v3, v4  }
0x2b7: {  	v4 =	vperm.xlane v3, v0;
	_ =	sdelay $0x1  }
0x2b8: {  	v3 =	vperm.xlane v3, v2;
	v4 =	vadd.s32 v1, v4;
	_ =	sdelay $0x1  }
0x2b9: {  	v3 =	vadd.s32 v1, v3;
	_ =	sdelay $0x2  }
0x2ba: {  	[tilespmem:s15], [sflag:$0x1] =	stream.indirect_vreg.gather [hbm4b:s5+s3], $0x80, v4, vm0, $0xb8;
	[tilespmem:$0x1E200] =	vst v63  }
0x2bb: {  	_ = 	snop  }
0x2bc: {  	[tilespmem:s16], [sflag:$0x1] =	stream.indirect_vreg.gather [hbm4b:s5+s3], $0x80, v3, vm0, $0xb8;
	[tilespmem:$0x1E200] =	vst v63  }
0x2bd: {  	v3 =	vld [tilespmem:$0x1B0];
	_ =	sdelay $0x4  }
0x2be: {  	v57 =	vshrl.u32 v3, $0x3  }
0x2bf: {  	v4 =	vmul.u32 $0x18, v57  }
0x2c0: {  	v3 =	vand.u32 $0x7, v3  }
0x2c1: {  	v3 =	vor.u32 v3, v4  }
0x2c2: {  	v4 =	vperm.xlane v3, v0;
	_ =	sdelay $0x1  }
0x2c3: {  	v3 =	vperm.xlane v3, v2;
	v4 =	vadd.s32 v1, v4;
	_ =	sdelay $0x1  }
0x2c4: {  	v3 =	vadd.s32 v1, v3;
	_ =	sdelay $0x2  }
0x2c5: {  	[tilespmem:s17], [sflag:$0x1] =	stream.indirect_vreg.gather [hbm4b:s5+s3], $0x80, v4, vm0, $0xb8;
	[tilespmem:$0x1E200] =	vst v63  }
0x2c6: {  	_ = 	snop  }
0x2c7: {  	[tilespmem:s18], [sflag:$0x1] =	stream.indirect_vreg.gather [hbm4b:s5+s3], $0x80, v3, vm0, $0xb8;
	[tilespmem:$0x1E200] =	vst v63  }
0x2c8: {  	v3 =	vld [tilespmem:$0x1C0];
	_ =	sdelay $0x4  }
0x2c9: {  	v58 =	vshrl.u32 v3, $0x3  }
0x2ca: {  	v4 =	vmul.u32 $0x18, v58  }
0x2cb: {  	v3 =	vand.u32 $0x7, v3  }
0x2cc: {  	v3 =	vor.u32 v3, v4  }
0x2cd: {  	v4 =	vperm.xlane v3, v0;
	_ =	sdelay $0x1  }
0x2ce: {  	v3 =	vperm.xlane v3, v2;
	v4 =	vadd.s32 v1, v4;
	_ =	sdelay $0x1  }
0x2cf: {  	v3 =	vadd.s32 v1, v3;
	_ =	sdelay $0x2  }
0x2d0: {  	[tilespmem:s19], [sflag:$0x1] =	stream.indirect_vreg.gather [hbm4b:s5+s3], $0x80, v4, vm0, $0xb8;
	[tilespmem:$0x1E200] =	vst v63  }
0x2d1: {  	_ = 	snop  }
0x2d2: {  	[tilespmem:s20], [sflag:$0x1] =	stream.indirect_vreg.gather [hbm4b:s5+s3], $0x80, v3, vm0, $0xb8;
	[tilespmem:$0x1E200] =	vst v63  }
0x2d3: {  	v3 =	vld [tilespmem:$0x180];
	_ =	sdelay $0x4  }
0x2d4: {  	v59 =	vperm.xlane v3, v0;
	_ =	sdelay $0x1  }
0x2d5: {  	v3 =	vperm.xlane v3, v2;
	v4 =	vadd.s32 v1, v59;
	_ =	sdelay $0x1  }
0x2d6: {  	v3 =	vadd.s32 v1, v3;
	_ =	sdelay $0x2  }
0x2d7: {  	[tilespmem:s21], [sflag:$0x1] =	stream.indirect_vreg.gather [hbm4b:s4+s3], $0x80, v4, vm0, $0xb8;
	[tilespmem:$0x1E200] =	vst v63  }
0x2d8: {  	_ = 	snop  }
0x2d9: {  	[tilespmem:s22], [sflag:$0x1] =	stream.indirect_vreg.gather [hbm4b:s4+s3], $0x80, v3, vm0, $0xb8;
	[tilespmem:$0x1E200] =	vst v63  }
0x2da: {  	v3 =	vld [tilespmem:$0x190];
	_ =	sdelay $0x4  }
0x2db: {  	v60 =	vperm.xlane v3, v0;
	_ =	sdelay $0x1  }
0x2dc: {  	v3 =	vperm.xlane v3, v2;
	v4 =	vadd.s32 v1, v60;
	_ =	sdelay $0x1  }
0x2dd: {  	v3 =	vadd.s32 v1, v3;
	_ =	sdelay $0x2  }
0x2de: {  	[tilespmem:s23], [sflag:$0x1] =	stream.indirect_vreg.gather [hbm4b:s4+s3], $0x80, v4, vm0, $0xb8;
	[tilespmem:$0x1E200] =	vst v63  }
0x2df: {  	_ = 	snop  }
0x2e0: {  	[tilespmem:s24], [sflag:$0x1] =	stream.indirect_vreg.gather [hbm4b:s4+s3], $0x80, v3, vm0, $0xb8;
	[tilespmem:$0x1E200] =	vst v63  }
0x2e1: {  	v3 =	vld [tilespmem:$0x1A0];
	_ =	sdelay $0x4  }
0x2e2: {  	v61 =	vperm.xlane v3, v0;
	_ =	sdelay $0x1  }
0x2e3: {  	v3 =	vperm.xlane v3, v2;
	v4 =	vadd.s32 v1, v61;
	_ =	sdelay $0x1  }
0x2e4: {  	v3 =	vadd.s32 v1, v3;
	_ =	sdelay $0x2  }
0x2e5: {  	[tilespmem:s25], [sflag:$0x1] =	stream.indirect_vreg.gather [hbm4b:s4+s3], $0x80, v4, vm0, $0xb8;
	[tilespmem:$0x1E200] =	vst v63  }
0x2e6: {  	_ = 	snop  }
0x2e7: {  	[tilespmem:s26], [sflag:$0x1] =	stream.indirect_vreg.gather [hbm4b:s4+s3], $0x80, v3, vm0, $0xb8;
	[tilespmem:$0x1E200] =	vst v63  }
0x2e8: {  	v3 =	vld [tilespmem:$0x1B0];
	_ =	sdelay $0x4  }
0x2e9: {  	v62 =	vperm.xlane v3, v0;
	_ =	sdelay $0x1  }
0x2ea: {  	v3 =	vperm.xlane v3, v2;
	v4 =	vadd.s32 v1, v62;
	_ =	sdelay $0x1  }
0x2eb: {  	v3 =	vadd.s32 v1, v3;
	_ =	sdelay $0x2  }
0x2ec: {  	[tilespmem:s28], [sflag:$0x1] =	stream.indirect_vreg.gather [hbm4b:s4+s3], $0x80, v4, vm0, $0xb8;
	[tilespmem:$0x1E200] =	vst v63  }
0x2ed: {  	_ = 	snop  }
0x2ee: {  	[tilespmem:s29], [sflag:$0x1] =	stream.indirect_vreg.gather [hbm4b:s4+s3], $0x80, v3, vm0, $0xb8;
	[tilespmem:$0x1E200] =	vst v63  }
0x2ef: {  	v3 =	vld [tilespmem:$0x1C0];
	_ =	sdelay $0x4  }
0x2f0: {  	v63 =	vperm.xlane v3, v0;
	_ =	sdelay $0x1  }
0x2f1: {  	v3 =	vperm.xlane v3, v2;
	v4 =	vadd.s32 v1, v63;
	_ =	sdelay $0x1  }
0x2f2: {  	v3 =	vadd.s32 v1, v3;
	_ =	sdelay $0x2  }
0x2f3: {  	[tilespmem:s30], [sflag:$0x1] =	stream.indirect_vreg.gather [hbm4b:s4+s3], $0x80, v4, vm0, $0xb8;
	[tilespmem:$0x1E200] =	vst v63  }
0x2f4: {  	_ = 	snop  }
0x2f5: {  	[tilespmem:s31], [sflag:$0x1] =	stream.indirect_vreg.gather [hbm4b:s4+s3], $0x80, v3, vm0, $0xb8;
	[tilespmem:$0x1E200] =	vst v63  }
0x2f6: {  	_ =	swait.ge [sflag:s1], $0x2800  }
0x2f7: {  	[sflag:s1] =	ssyncset.done $0x0  }
0x2f8: {  	[sflag:s1] =	ssyncadd.s32 $0xFFFFD800  }
0x2f9: {  	_ =	swait.ge [sflag:s1], $0x2800  }
0x2fa: {  	[sflag:s1] =	ssyncset.done $0x0  }
0x2fb: {  	[sflag:s1] =	ssyncadd.s32 $0xFFFFD800  }
0x2fc: {  	_ =	swait.ge [sflag:s1], $0x2800  }
0x2fd: {  	[sflag:s1] =	ssyncset.done $0x0  }
0x2fe: {  	[sflag:s1] =	ssyncadd.s32 $0xFFFFD800  }
0x2ff: {  	_ =	swait.ge [sflag:s1], $0x2800  }
0x300: {  	[sflag:s1] =	ssyncset.done $0x0  }
0x301: {  	[sflag:s1] =	ssyncadd.s32 $0xFFFFD800  }
0x302: {  	_ =	swait.ge [sflag:s1], $0x2800  }
0x303: {  	[sflag:s1] =	ssyncset.done $0x0  }
0x304: {  	[sflag:s1] =	ssyncadd.s32 $0xFFFFD800  }
0x305: {  	_ =	swait.ge [sflag:s1], $0x2800  }
0x306: {  	[sflag:s1] =	ssyncset.done $0x0  }
0x307: {  	[sflag:s1] =	ssyncadd.s32 $0xFFFFD800  }
0x308: {  	_ =	swait.ge [sflag:s1], $0x2800  }
0x309: {  	[sflag:s1] =	ssyncset.done $0x0  }
0x30a: {  	[sflag:s1] =	ssyncadd.s32 $0xFFFFD800  }
0x30b: {  	_ =	swait.ge [sflag:s1], $0x2800  }
0x30c: {  	[sflag:s1] =	ssyncset.done $0x0  }
0x30d: {  	[sflag:s1] =	ssyncadd.s32 $0xFFFFD800  }
0x30e: {  	_ =	swait.ge [sflag:s1], $0x2800  }
0x30f: {  	[sflag:s1] =	ssyncset.done $0x0  }
0x310: {  	[sflag:s1] =	ssyncadd.s32 $0xFFFFD800  }
0x311: {  	_ =	swait.ge [sflag:s1], $0x2800  }
0x312: {  	[sflag:s1] =	ssyncset.done $0x0  }
0x313: {  	[sflag:s1] =	ssyncadd.s32 $0xFFFFD800  }
0x314: {  	_ =	swait.ge [sflag:s1], $0x2800  }
0x315: {  	[sflag:s1] =	ssyncset.done $0x0  }
0x316: {  	[sflag:s1] =	ssyncadd.s32 $0xFFFFD800  }
0x317: {  	_ =	swait.ge [sflag:s1], $0x2800  }
0x318: {  	p0 =	sne.s32 s6, $0x1;
	[sflag:s1] =	ssyncset.done $0x0  }
.Ltmp0:
0x319: {  	s9 =	rddreg [dreg:$0x7];
	[sflag:s1] =	ssyncadd.s32 $0xFFFFD800;
	(pc) =	sbr.rel @p0 .LBB2_1-.Ltmp0, $4  }
0x31a: {  	[hbm4b:s9+s3] =	stream.linear.scatter [tilespmem:s8], [sflag:$0x2], $0x1E000, $0x38;
	[tilespmem:$0x1E200] =	vst v63  }
0x31b: {  	_ =	swait.ge [sflag:s7], $0x1E000  }
0x31c: {  	[sflag:s7] =	ssyncset.done $0x0  }
0x31d: {  	s6 =	sadd.s32 $0xFFFFFFFF, s6;
	[sflag:s7] =	ssyncadd.s32 $0xFFFE2000  }
0x31e: {  	_ =	sfence.sel $0x180000  }
0x31f: {  	[bflag:$0x0] =	sbarrier.arrive $0xFFFF  }
0x320: {  	_ =	strace $0x90000047  }
0x321: {  	s0 =	stileid.u32;
	[bflag:$0x2] =	sbarrier.arrive $0xFFFF  }
0x322: {  	p0 =	sne.s32 s0, $0x0;
	s0 =	rddreg [dreg:$0x2]  }
0x323: {  	s0 =	sadd.s32 @!p0 $0x100000, s0  }
0x324: {  	[sflag:s0] =	ssyncadd.tile.s32 @!p0 $0x1;
	_ =	shalt  }
.Lfunc_end2:
_tile_overlayer_lowered:
.L_overlay_start_2:
0x325: {  	(tag) =	ssettag $0x2  }
0x326: {  	s0 =	rddreg [dreg:$0x0];
	s2 =	stileid.u32  }
0x327: {  	s1 =	rddreg [dreg:$0x1];
	p0 =	sne.s32 s2, $0x0  }
0x328: {  	s3 =	rddreg [dreg:$0x2];
	[bflag:$0x3] =	sbarrier.arrive $0xFFFF;
	s2 =	simm.s32 @!p0 $0x1C02  }
0x329: {  	[timem:s3], [sflag:s2] =	dma.local @!p0 [hbm:s0], s1  }
0x32a: {  	s0 =	simm.s32 @!p0 $0x2  }
0x32b: {  	_ =	swait.ge @!p0 [sflag:s0], s1  }
0x32c: {  	s1 =	ssub.s32 @!p0 $0x0, s1;
	[sflag:s0] =	ssyncset.done @!p0 $0x0  }
0x32d: {  	[sflag:s0] =	ssyncadd.s32 @!p0 s1  }
0x32e: {  	[bflag:$0x3] =	sbarrier.arrive $0xFFFF  }
0x32f: {  	_ =	shalt  }

</sc_bundles>
